<compile_context>
chip_gen: v7x
topology: tpu7x:2x2x1
jax: 0.10.2.dev20260603
libtpu: 0.0.44.dev20260713+nightly
codegen_flags: <defaults>
</compile_context>

<pallas_src>
import functools

import jax
import jax.numpy as jnp
from jax import lax
from jax.experimental import pallas as pl
from jax.experimental.pallas import tpu as pltpu
from jax.experimental.pallas import tpu_sc as plsc

N = 10000
E = 320000
D_IN = 128
D_HID = 128
D_OUT = 40
D2 = 48

NC, NS, L = 2, 16, 16
NW = NC * NS
CHUNK = 128
EPW = 10240
E_PAD = NW * EPW
NCHUNK = EPW // CHUNK
NP = 10240
RPT = NP // NS

BLK = 512
GRID = NP // BLK

_MESH = plsc.VectorSubcoreMesh(
    core_axis_name="c", subcore_axis_name="s", num_cores=NC, num_subcores=NS)


@functools.partial(
    pl.kernel,
    out_type=jax.ShapeDtypeStruct((NC, NP, 128), jnp.float32),
    mesh=_MESH,
    scratch_types=[
        pltpu.VMEM((NCHUNK, CHUNK), jnp.int32),
        pltpu.VMEM((CHUNK, 128), jnp.float32),
        pltpu.VMEM_SHARED((NP, 128), jnp.float32),
    ],
    compiler_params=pltpu.CompilerParams(use_tc_tiling_on_sc=False),
)
def _deg_sc(dst_hbm, ones_hbm, zeros_hbm, out_hbm, dst_v, ones_v, acc_sh):
    cid = lax.axis_index("c")
    sid = lax.axis_index("s")
    wid = sid * NC + cid
    pltpu.sync_copy(zeros_hbm, acc_sh.at[pl.ds(sid * RPT, RPT)])
    pltpu.sync_copy(dst_hbm.at[wid], dst_v)
    pltpu.sync_copy(ones_hbm, ones_v)
    plsc.subcore_barrier()

    def body(c, _):
        pltpu.sync_copy(ones_v, acc_sh.at[dst_v.at[c]], add=True)
        return ()

    lax.fori_loop(0, NCHUNK, body, (), unroll=False)
    plsc.subcore_barrier()
    pltpu.sync_copy(acc_sh.at[pl.ds(sid * RPT, RPT)],
                    out_hbm.at[cid, pl.ds(sid * RPT, RPT)])


def _make_agg(D):
    @functools.partial(
        pl.kernel,
        out_type=jax.ShapeDtypeStruct((NC, NP, D), jnp.float32),
        mesh=_MESH,
        scratch_types=[
            pltpu.VMEM((CHUNK,), jnp.int32),
            pltpu.VMEM((CHUNK,), jnp.int32),
            pltpu.VMEM((CHUNK,), jnp.int32),
            pltpu.VMEM((CHUNK,), jnp.int32),
            pltpu.VMEM((CHUNK, D), jnp.float32),
            pltpu.VMEM((CHUNK, D), jnp.float32),
            pltpu.VMEM_SHARED((NP, D), jnp.float32),
            pltpu.SemaphoreType.DMA,
            pltpu.SemaphoreType.DMA,
        ],
        compiler_params=pltpu.CompilerParams(use_tc_tiling_on_sc=False),
    )
    def agg(hs_hbm, src_hbm, dst_hbm, zeros_hbm, out_hbm,
            si0, si1, di0, di1, rows0, rows1, acc_sh, sem0, sem1):
        cid = lax.axis_index("c")
        sid = lax.axis_index("s")
        wid = sid * NC + cid
        pltpu.sync_copy(zeros_hbm, acc_sh.at[pl.ds(sid * RPT, RPT)])
        pltpu.sync_copy(src_hbm.at[wid, 0], si0)
        pltpu.sync_copy(dst_hbm.at[wid, 0], di0)
        plsc.subcore_barrier()
        pltpu.async_copy(hs_hbm.at[si0], rows0, sem0)
        pltpu.sync_copy(src_hbm.at[wid, 1], si1)
        pltpu.sync_copy(dst_hbm.at[wid, 1], di1)

        def body(i, _):
            c0 = 2 * i
            c1 = 2 * i + 1
            pltpu.async_copy(hs_hbm.at[si1], rows1, sem1)
            pltpu.make_async_copy(hs_hbm.at[si0], rows0, sem0).wait()
            pltpu.sync_copy(rows0, acc_sh.at[di0], add=True)

            @pl.when(c0 + 2 < NCHUNK)
            def _():
                pltpu.sync_copy(src_hbm.at[wid, c0 + 2], si0)
                pltpu.sync_copy(dst_hbm.at[wid, c0 + 2], di0)
                pltpu.async_copy(hs_hbm.at[si0], rows0, sem0)

            pltpu.make_async_copy(hs_hbm.at[si1], rows1, sem1).wait()
            pltpu.sync_copy(rows1, acc_sh.at[di1], add=True)

            @pl.when(c1 + 2 < NCHUNK)
            def _():
                pltpu.sync_copy(src_hbm.at[wid, c1 + 2], si1)
                pltpu.sync_copy(dst_hbm.at[wid, c1 + 2], di1)

            return ()

        lax.fori_loop(0, NCHUNK // 2, body, (), unroll=False)
        plsc.subcore_barrier()
        pltpu.sync_copy(acc_sh.at[pl.ds(sid * RPT, RPT)],
                        out_hbm.at[cid, pl.ds(sid * RPT, RPT)])

    return agg


_agg128 = _make_agg(D_HID)
_agg48 = _make_agg(D2)


def _dinv_of(degp):
    deg = 1.0 + degp[0] + degp[1]
    return lax.rsqrt(deg)[:, 0:1]


def _mm1_body(x_ref, w_ref, degp_ref, out_ref):
    dinv = _dinv_of(degp_ref[...])
    h = jnp.dot(x_ref[...], w_ref[...], preferred_element_type=jnp.float32)
    out_ref[...] = h * dinv


def _mid_body(a_ref, hs1_ref, degp_ref, b1_ref, w2_ref, out_ref):
    a = a_ref[...]
    dinv = _dinv_of(degp_ref[...])
    z = jnp.maximum(dinv * (a[0] + a[1] + hs1_ref[...]) + b1_ref[...], 0.0)
    h2 = jnp.dot(z, w2_ref[...], preferred_element_type=jnp.float32)
    out_ref[...] = h2 * dinv


def _out_body(a_ref, hs2_ref, degp_ref, b2_ref, out_ref):
    a = a_ref[...]
    dinv = _dinv_of(degp_ref[...])
    t = dinv * (a[0] + a[1] + hs2_ref[...]) + b2_ref[...]
    col = lax.broadcasted_iota(jnp.int32, t.shape, 1)
    valid = col < D_OUT
    tm = jnp.where(valid, t, -jnp.inf)
    m = jnp.max(tm, axis=1, keepdims=True)
    e = jnp.where(valid, jnp.exp(t - m), 0.0)
    s = jnp.sum(e, axis=1, keepdims=True)
    out_ref[...] = t - m - jnp.log(s)


def _row_spec(d):
    return pl.BlockSpec((BLK, d), lambda i: (i, 0))


_DEGP_SPEC = pl.BlockSpec((NC, BLK, 128), lambda i: (0, i, 0))
_FULL2 = lambda r, c: pl.BlockSpec((r, c), lambda i: (0, 0))


_mm1_tc = pl.pallas_call(
    _mm1_body,
    grid=(GRID,),
    in_specs=[_row_spec(D_IN), _FULL2(D_IN, D_HID), _DEGP_SPEC],
    out_specs=_row_spec(D_HID),
    out_shape=jax.ShapeDtypeStruct((NP, D_HID), jnp.float32),
)

_mid_tc = pl.pallas_call(
    _mid_body,
    grid=(GRID,),
    in_specs=[pl.BlockSpec((NC, BLK, D_HID), lambda i: (0, i, 0)),
              _row_spec(D_HID), _DEGP_SPEC, _FULL2(1, D_HID),
              _FULL2(D_HID, D2)],
    out_specs=_row_spec(D2),
    out_shape=jax.ShapeDtypeStruct((NP, D2), jnp.float32),
)

_out_tc = pl.pallas_call(
    _out_body,
    grid=(GRID,),
    in_specs=[pl.BlockSpec((NC, BLK, D2), lambda i: (0, i, 0)),
              _row_spec(D2), _DEGP_SPEC, _FULL2(1, D2)],
    out_specs=_row_spec(D2),
    out_shape=jax.ShapeDtypeStruct((NP, D2), jnp.float32),
)


def kernel(x, edge_index, W1, b1, W2, b2):
    src = edge_index[0].astype(jnp.int32)
    dst = edge_index[1].astype(jnp.int32)
    pad = jnp.full((E_PAD - E,), N, jnp.int32)
    src3 = jnp.concatenate([src, pad]).reshape(NW, NCHUNK, CHUNK)
    dst3 = jnp.concatenate([dst, pad]).reshape(NW, NCHUNK, CHUNK)
    x_p = jnp.zeros((NP, D_IN), jnp.float32).at[:N].set(x)
    W2p = jnp.zeros((D_HID, D2), jnp.float32).at[:, :D_OUT].set(W2)
    b2p = jnp.zeros((1, D2), jnp.float32).at[0, :D_OUT].set(b2)
    b1r = b1.reshape(1, D_HID)
    zeros128 = jnp.zeros((RPT, D_HID), jnp.float32)
    zeros48 = jnp.zeros((RPT, D2), jnp.float32)
    ones128 = jnp.ones((CHUNK, 128), jnp.float32)

    degp = _deg_sc(dst3, ones128, zeros128)
    hs1 = _mm1_tc(x_p, W1, degp)
    agg1 = _agg128(hs1, src3, dst3, zeros128)
    hs2 = _mid_tc(agg1, hs1, degp, b1r, W2p)
    agg2 = _agg48(hs2, src3, dst3, zeros48)
    outp = _out_tc(agg2, hs2, degp, b2p)
    return outp[:N, :D_OUT]

# --- scband reference (transcript-rebuilt; emitter-appended) ---
"""Pipeline reference for scband-gcnmodel-43018392437092 (READ-ONLY COPY).

The authoritative reference and input builder live on the scoring server;
editing this copy changes nothing except your own understanding.
"""

import jax, jax.numpy as jnp
import numpy as np

N_NODES = 10000
N_EDGES = 320000
D_IN = 128
D_HID = 128
D_OUT = 40


def setup_inputs(seed: int = 0) -> dict:
    key = jax.random.key(seed)
    k1, k2, k3, k4, k5, k6 = jax.random.split(key, 6)
    x = jax.random.normal(k1, (N_NODES, D_IN), dtype=jnp.float32)
    edge_index = jax.random.randint(k2, (2, N_EDGES), 0, N_NODES, dtype=jnp.int64)
    # Glorot-style init for GCN layer weights
    W1 = jax.random.normal(k3, (D_IN, D_HID), dtype=jnp.float32) * (1.0 / np.sqrt(D_IN))
    b1 = jnp.zeros((D_HID,), dtype=jnp.float32)
    W2 = jax.random.normal(k4, (D_HID, D_OUT), dtype=jnp.float32) * (1.0 / np.sqrt(D_HID))
    b2 = jnp.zeros((D_OUT,), dtype=jnp.float32)
    return {"x": x, "edge_index": edge_index, "W1": W1, "b1": b1, "W2": W2, "b2": b2}


def _gcn_conv(x, edge_index, W, b):
    # GCNConv: out = D^{-1/2} (A + I) D^{-1/2} X W + b  (add_self_loops=True, normalize=True)
    N = x.shape[0]
    loop = jnp.arange(N, dtype=edge_index.dtype)
    src = jnp.concatenate([edge_index[0], loop])
    dst = jnp.concatenate([edge_index[1], loop])
    deg = jnp.zeros((N,), dtype=x.dtype).at[dst].add(1.0)
    dinv = jnp.where(deg > 0, 1.0 / jnp.sqrt(deg), 0.0)
    norm = dinv[src] * dinv[dst]
    h = x @ W
    msg = h[src] * norm[:, None]
    out = jax.ops.segment_sum(msg, dst, num_segments=N)
    return out + b


def reference(x, edge_index, W1, b1, W2, b2):
    h = _gcn_conv(x, edge_index, W1, b1)
    h = jax.nn.relu(h)
    # dropout: identity in eval/inference mode (training=False)
    h = _gcn_conv(h, edge_index, W2, b2)
    return jax.nn.log_softmax(h, axis=1)

if __name__ == "__main__":
    import jax
    _d = setup_inputs()
    print(jax.jit(kernel)(*tuple(_d.values())))

</pallas_src>

<mosaic_0001>
#map = affine_map<(d0, d1) -> (0, 0)>
#map1 = affine_map<(d0, d1) -> (0, 0, 0)>
module attributes {stable_mosaic.version = 14 : i64} {
  func.func @agg(%arg0: i32, %arg1: i32, %arg2: memref<10240x128xf32, #tpu.memory_space<hbm>>, %arg3: memref<32x80x128xi32, #tpu.memory_space<hbm>>, %arg4: memref<32x80x128xi32, #tpu.memory_space<hbm>>, %arg5: memref<640x128xf32, #tpu.memory_space<hbm>>, %arg6: memref<2x10240x128xf32, #tpu.memory_space<hbm>>, %arg7: memref<128xi32, #tpu.memory_space<vmem>>, %arg8: memref<128xi32, #tpu.memory_space<vmem>>, %arg9: memref<128xi32, #tpu.memory_space<vmem>>, %arg10: memref<128xi32, #tpu.memory_space<vmem>>, %arg11: memref<128x128xf32, #tpu.memory_space<vmem>>, %arg12: memref<128x128xf32, #tpu.memory_space<vmem>>, %arg13: memref<10240x128xf32, #tpu.memory_space<vmem_shared>>, %arg14: memref<!tpu.dma_semaphore, #tpu.memory_space<semaphore_mem>>, %arg15: memref<!tpu.dma_semaphore, #tpu.memory_space<semaphore_mem>>) attributes {dimension_semantics = [#tpu.dimension_semantics<core_parallel>, #tpu.dimension_semantics<subcore_parallel>], iteration_bounds = array<i64: 2, 16>, scalar_prefetch = 0 : i64, scratch_operands = 9 : i64, tpu.core_type = #tpu.core_type<sc_vector_subcore>, window_params = [{transform_indices = #map}, {transform_indices = #map1}, {transform_indices = #map1}, {transform_indices = #map}, {transform_indices = #map1}]} {
    %mul3A = arith.constant 2 : i32
    %mul3A_0 = arith.muli %arg1, %mul3A : i32
    %add3A = arith.addi %mul3A_0, %arg0 : i32
    %mul3A_1 = arith.constant 640 : i32
    %mul3A_2 = arith.muli %arg1, %mul3A_1 : i32
    "tpu.region"() ({
      %run_scoped3A_17 = tpu.sem_alloc : memref<!tpu.dma_semaphore, #tpu.memory_space<semaphore_mem>>
      %dma_start3A_18 = arith.constant 0 : i32
      %dma_start3A_19 = tpu.memref_slice %arg13[%mul3A_2, %dma_start3A_18] : memref<10240x128xf32, #tpu.memory_space<vmem_shared>> -> memref<640x128xf32, #tpu.memory_space<vmem_shared>>
      tpu.enqueue_dma source(%arg5 : memref<640x128xf32, #tpu.memory_space<hbm>>) target(%dma_start3A_19 : memref<640x128xf32, #tpu.memory_space<vmem_shared>>) target_semaphore(%run_scoped3A_17 : memref<!tpu.dma_semaphore, #tpu.memory_space<semaphore_mem>>)
      %dma_wait3A = arith.constant 0 : i32
      %dma_wait3A_20 = tpu.memref_slice %arg13[%mul3A_2, %dma_wait3A] : memref<10240x128xf32, #tpu.memory_space<vmem_shared>> -> memref<640x128xf32, #tpu.memory_space<vmem_shared>>
      tpu.wait_dma2 semaphore(%run_scoped3A_17 : memref<!tpu.dma_semaphore, #tpu.memory_space<semaphore_mem>>) src(%arg5 : memref<640x128xf32, #tpu.memory_space<hbm>>) dst(%dma_wait3A_20 : memref<640x128xf32, #tpu.memory_space<vmem_shared>>)
      tpu.yield
    }) : () -> ()
    %run_scoped3A = arith.constant 0 : i32
    "tpu.region"() ({
      %run_scoped3A_17 = tpu.sem_alloc : memref<!tpu.dma_semaphore, #tpu.memory_space<semaphore_mem>>
      %dma_start3A_18 = arith.constant 0 : i32
      %dma_start3A_19 = tpu.memref_slice %arg3[%add3A, %run_scoped3A, %dma_start3A_18] : memref<32x80x128xi32, #tpu.memory_space<hbm>> -> memref<1x1x128xi32, #tpu.memory_space<hbm>>
      %dma_start3A_20 = tpu.memref_squeeze %dma_start3A_19 : memref<1x1x128xi32, #tpu.memory_space<hbm>> -> memref<128xi32, #tpu.memory_space<hbm>>
      %dma_start3A_21 = arith.constant 0 : i32
      %dma_start3A_22 = tpu.memref_slice %arg3[%add3A, %run_scoped3A, %dma_start3A_21] : memref<32x80x128xi32, #tpu.memory_space<hbm>> -> memref<1x1x128xi32, #tpu.memory_space<hbm>>
      %dma_start3A_23 = tpu.memref_squeeze %dma_start3A_22 : memref<1x1x128xi32, #tpu.memory_space<hbm>> -> memref<128xi32, #tpu.memory_space<hbm>>
      tpu.enqueue_dma source(%dma_start3A_23 : memref<128xi32, #tpu.memory_space<hbm>>) target(%arg7 : memref<128xi32, #tpu.memory_space<vmem>>) target_semaphore(%run_scoped3A_17 : memref<!tpu.dma_semaphore, #tpu.memory_space<semaphore_mem>>)
      %dma_wait3A = arith.constant 0 : i32
      %dma_wait3A_24 = tpu.memref_slice %arg3[%add3A, %run_scoped3A, %dma_wait3A] : memref<32x80x128xi32, #tpu.memory_space<hbm>> -> memref<1x1x128xi32, #tpu.memory_space<hbm>>
      %dma_wait3A_25 = tpu.memref_squeeze %dma_wait3A_24 : memref<1x1x128xi32, #tpu.memory_space<hbm>> -> memref<128xi32, #tpu.memory_space<hbm>>
      %dma_wait3A_26 = arith.constant 0 : i32
      %dma_wait3A_27 = tpu.memref_slice %arg3[%add3A, %run_scoped3A, %dma_wait3A_26] : memref<32x80x128xi32, #tpu.memory_space<hbm>> -> memref<1x1x128xi32, #tpu.memory_space<hbm>>
      %dma_wait3A_28 = tpu.memref_squeeze %dma_wait3A_27 : memref<1x1x128xi32, #tpu.memory_space<hbm>> -> memref<128xi32, #tpu.memory_space<hbm>>
      tpu.wait_dma2 semaphore(%run_scoped3A_17 : memref<!tpu.dma_semaphore, #tpu.memory_space<semaphore_mem>>) src(%dma_wait3A_28 : memref<128xi32, #tpu.memory_space<hbm>>) dst(%arg7 : memref<128xi32, #tpu.memory_space<vmem>>)
      tpu.yield
    }) : () -> ()
    %run_scoped3A_3 = arith.constant 0 : i32
    "tpu.region"() ({
      %run_scoped3A_17 = tpu.sem_alloc : memref<!tpu.dma_semaphore, #tpu.memory_space<semaphore_mem>>
      %dma_start3A_18 = arith.constant 0 : i32
      %dma_start3A_19 = tpu.memref_slice %arg4[%add3A, %run_scoped3A_3, %dma_start3A_18] : memref<32x80x128xi32, #tpu.memory_space<hbm>> -> memref<1x1x128xi32, #tpu.memory_space<hbm>>
      %dma_start3A_20 = tpu.memref_squeeze %dma_start3A_19 : memref<1x1x128xi32, #tpu.memory_space<hbm>> -> memref<128xi32, #tpu.memory_space<hbm>>
      %dma_start3A_21 = arith.constant 0 : i32
      %dma_start3A_22 = tpu.memref_slice %arg4[%add3A, %run_scoped3A_3, %dma_start3A_21] : memref<32x80x128xi32, #tpu.memory_space<hbm>> -> memref<1x1x128xi32, #tpu.memory_space<hbm>>
      %dma_start3A_23 = tpu.memref_squeeze %dma_start3A_22 : memref<1x1x128xi32, #tpu.memory_space<hbm>> -> memref<128xi32, #tpu.memory_space<hbm>>
      tpu.enqueue_dma source(%dma_start3A_23 : memref<128xi32, #tpu.memory_space<hbm>>) target(%arg9 : memref<128xi32, #tpu.memory_space<vmem>>) target_semaphore(%run_scoped3A_17 : memref<!tpu.dma_semaphore, #tpu.memory_space<semaphore_mem>>)
      %dma_wait3A = arith.constant 0 : i32
      %dma_wait3A_24 = tpu.memref_slice %arg4[%add3A, %run_scoped3A_3, %dma_wait3A] : memref<32x80x128xi32, #tpu.memory_space<hbm>> -> memref<1x1x128xi32, #tpu.memory_space<hbm>>
      %dma_wait3A_25 = tpu.memref_squeeze %dma_wait3A_24 : memref<1x1x128xi32, #tpu.memory_space<hbm>> -> memref<128xi32, #tpu.memory_space<hbm>>
      %dma_wait3A_26 = arith.constant 0 : i32
      %dma_wait3A_27 = tpu.memref_slice %arg4[%add3A, %run_scoped3A_3, %dma_wait3A_26] : memref<32x80x128xi32, #tpu.memory_space<hbm>> -> memref<1x1x128xi32, #tpu.memory_space<hbm>>
      %dma_wait3A_28 = tpu.memref_squeeze %dma_wait3A_27 : memref<1x1x128xi32, #tpu.memory_space<hbm>> -> memref<128xi32, #tpu.memory_space<hbm>>
      tpu.wait_dma2 semaphore(%run_scoped3A_17 : memref<!tpu.dma_semaphore, #tpu.memory_space<semaphore_mem>>) src(%dma_wait3A_28 : memref<128xi32, #tpu.memory_space<hbm>>) dst(%arg9 : memref<128xi32, #tpu.memory_space<vmem>>)
      tpu.yield
    }) : () -> ()
    %barrier3A = arith.constant 0 : index
    tpu.barrier barrier_id(%barrier3A)
    %dma_start3A = arith.constant 0 : i32
    %dma_start3A_4 = arith.constant 0 : i32
    %dma_start3A_5 = tpu.memref_slice %arg2[%dma_start3A, %dma_start3A_4] : memref<10240x128xf32, #tpu.memory_space<hbm>> -> memref<10240x128xf32, #tpu.memory_space<hbm>>
    tpu.enqueue_indirect_dma source(%dma_start3A_5 : memref<10240x128xf32, #tpu.memory_space<hbm>>) target(%arg11 : memref<128x128xf32, #tpu.memory_space<vmem>>) offsets(%arg7 : memref<128xi32, #tpu.memory_space<vmem>>) semaphore(%arg14 : memref<!tpu.dma_semaphore, #tpu.memory_space<semaphore_mem>>)
    %run_scoped3A_6 = arith.constant 1 : i32
    "tpu.region"() ({
      %run_scoped3A_17 = tpu.sem_alloc : memref<!tpu.dma_semaphore, #tpu.memory_space<semaphore_mem>>
      %dma_start3A_18 = arith.constant 0 : i32
      %dma_start3A_19 = tpu.memref_slice %arg3[%add3A, %run_scoped3A_6, %dma_start3A_18] : memref<32x80x128xi32, #tpu.memory_space<hbm>> -> memref<1x1x128xi32, #tpu.memory_space<hbm>>
      %dma_start3A_20 = tpu.memref_squeeze %dma_start3A_19 : memref<1x1x128xi32, #tpu.memory_space<hbm>> -> memref<128xi32, #tpu.memory_space<hbm>>
      %dma_start3A_21 = arith.constant 0 : i32
      %dma_start3A_22 = tpu.memref_slice %arg3[%add3A, %run_scoped3A_6, %dma_start3A_21] : memref<32x80x128xi32, #tpu.memory_space<hbm>> -> memref<1x1x128xi32, #tpu.memory_space<hbm>>
      %dma_start3A_23 = tpu.memref_squeeze %dma_start3A_22 : memref<1x1x128xi32, #tpu.memory_space<hbm>> -> memref<128xi32, #tpu.memory_space<hbm>>
      tpu.enqueue_dma source(%dma_start3A_23 : memref<128xi32, #tpu.memory_space<hbm>>) target(%arg8 : memref<128xi32, #tpu.memory_space<vmem>>) target_semaphore(%run_scoped3A_17 : memref<!tpu.dma_semaphore, #tpu.memory_space<semaphore_mem>>)
      %dma_wait3A = arith.constant 0 : i32
      %dma_wait3A_24 = tpu.memref_slice %arg3[%add3A, %run_scoped3A_6, %dma_wait3A] : memref<32x80x128xi32, #tpu.memory_space<hbm>> -> memref<1x1x128xi32, #tpu.memory_space<hbm>>
      %dma_wait3A_25 = tpu.memref_squeeze %dma_wait3A_24 : memref<1x1x128xi32, #tpu.memory_space<hbm>> -> memref<128xi32, #tpu.memory_space<hbm>>
      %dma_wait3A_26 = arith.constant 0 : i32
      %dma_wait3A_27 = tpu.memref_slice %arg3[%add3A, %run_scoped3A_6, %dma_wait3A_26] : memref<32x80x128xi32, #tpu.memory_space<hbm>> -> memref<1x1x128xi32, #tpu.memory_space<hbm>>
      %dma_wait3A_28 = tpu.memref_squeeze %dma_wait3A_27 : memref<1x1x128xi32, #tpu.memory_space<hbm>> -> memref<128xi32, #tpu.memory_space<hbm>>
      tpu.wait_dma2 semaphore(%run_scoped3A_17 : memref<!tpu.dma_semaphore, #tpu.memory_space<semaphore_mem>>) src(%dma_wait3A_28 : memref<128xi32, #tpu.memory_space<hbm>>) dst(%arg8 : memref<128xi32, #tpu.memory_space<vmem>>)
      tpu.yield
    }) : () -> ()
    %run_scoped3A_7 = arith.constant 1 : i32
    "tpu.region"() ({
      %run_scoped3A_17 = tpu.sem_alloc : memref<!tpu.dma_semaphore, #tpu.memory_space<semaphore_mem>>
      %dma_start3A_18 = arith.constant 0 : i32
      %dma_start3A_19 = tpu.memref_slice %arg4[%add3A, %run_scoped3A_7, %dma_start3A_18] : memref<32x80x128xi32, #tpu.memory_space<hbm>> -> memref<1x1x128xi32, #tpu.memory_space<hbm>>
      %dma_start3A_20 = tpu.memref_squeeze %dma_start3A_19 : memref<1x1x128xi32, #tpu.memory_space<hbm>> -> memref<128xi32, #tpu.memory_space<hbm>>
      %dma_start3A_21 = arith.constant 0 : i32
      %dma_start3A_22 = tpu.memref_slice %arg4[%add3A, %run_scoped3A_7, %dma_start3A_21] : memref<32x80x128xi32, #tpu.memory_space<hbm>> -> memref<1x1x128xi32, #tpu.memory_space<hbm>>
      %dma_start3A_23 = tpu.memref_squeeze %dma_start3A_22 : memref<1x1x128xi32, #tpu.memory_space<hbm>> -> memref<128xi32, #tpu.memory_space<hbm>>
      tpu.enqueue_dma source(%dma_start3A_23 : memref<128xi32, #tpu.memory_space<hbm>>) target(%arg10 : memref<128xi32, #tpu.memory_space<vmem>>) target_semaphore(%run_scoped3A_17 : memref<!tpu.dma_semaphore, #tpu.memory_space<semaphore_mem>>)
      %dma_wait3A = arith.constant 0 : i32
      %dma_wait3A_24 = tpu.memref_slice %arg4[%add3A, %run_scoped3A_7, %dma_wait3A] : memref<32x80x128xi32, #tpu.memory_space<hbm>> -> memref<1x1x128xi32, #tpu.memory_space<hbm>>
      %dma_wait3A_25 = tpu.memref_squeeze %dma_wait3A_24 : memref<1x1x128xi32, #tpu.memory_space<hbm>> -> memref<128xi32, #tpu.memory_space<hbm>>
      %dma_wait3A_26 = arith.constant 0 : i32
      %dma_wait3A_27 = tpu.memref_slice %arg4[%add3A, %run_scoped3A_7, %dma_wait3A_26] : memref<32x80x128xi32, #tpu.memory_space<hbm>> -> memref<1x1x128xi32, #tpu.memory_space<hbm>>
      %dma_wait3A_28 = tpu.memref_squeeze %dma_wait3A_27 : memref<1x1x128xi32, #tpu.memory_space<hbm>> -> memref<128xi32, #tpu.memory_space<hbm>>
      tpu.wait_dma2 semaphore(%run_scoped3A_17 : memref<!tpu.dma_semaphore, #tpu.memory_space<semaphore_mem>>) src(%dma_wait3A_28 : memref<128xi32, #tpu.memory_space<hbm>>) dst(%arg10 : memref<128xi32, #tpu.memory_space<vmem>>)
      tpu.yield
    }) : () -> ()
    %scan3A = arith.constant 0 : i32
    %scan3A_8 = arith.constant 40 : i32
    %scan3A_9 = arith.addi %scan3A, %scan3A_8 : i32
    %scan3A_10 = arith.constant 1 : i32
    scf.for %scan3A_17 = %scan3A to %scan3A_9 step %scan3A_10  : i32 {
      %mul3A_18 = arith.constant 2 : i32
      %mul3A_19 = arith.muli %mul3A_18, %scan3A_17 : i32
      %mul3A_20 = arith.constant 2 : i32
      %mul3A_21 = arith.muli %mul3A_20, %scan3A_17 : i32
      %add3A_22 = arith.constant 1 : i32
      %add3A_23 = arith.addi %mul3A_21, %add3A_22 : i32
      %dma_start3A_24 = arith.constant 0 : i32
      %dma_start3A_25 = arith.constant 0 : i32
      %dma_start3A_26 = tpu.memref_slice %arg2[%dma_start3A_24, %dma_start3A_25] : memref<10240x128xf32, #tpu.memory_space<hbm>> -> memref<10240x128xf32, #tpu.memory_space<hbm>>
      tpu.enqueue_indirect_dma source(%dma_start3A_26 : memref<10240x128xf32, #tpu.memory_space<hbm>>) target(%arg12 : memref<128x128xf32, #tpu.memory_space<vmem>>) offsets(%arg8 : memref<128xi32, #tpu.memory_space<vmem>>) semaphore(%arg15 : memref<!tpu.dma_semaphore, #tpu.memory_space<semaphore_mem>>)
      %dma_wait3A = arith.constant 0 : i32
      %dma_wait3A_27 = arith.constant 0 : i32
      %dma_wait3A_28 = tpu.memref_slice %arg2[%dma_wait3A, %dma_wait3A_27] : memref<10240x128xf32, #tpu.memory_space<hbm>> -> memref<10240x128xf32, #tpu.memory_space<hbm>>
      tpu.wait_indirect_dma semaphore(%arg14 : memref<!tpu.dma_semaphore, #tpu.memory_space<semaphore_mem>>) src(%dma_wait3A_28 : memref<10240x128xf32, #tpu.memory_space<hbm>>) dst(%arg11 : memref<128x128xf32, #tpu.memory_space<vmem>>)
      "tpu.region"() ({
        %run_scoped3A_43 = tpu.sem_alloc : memref<!tpu.dma_semaphore, #tpu.memory_space<semaphore_mem>>
        %dma_start3A_44 = arith.constant 0 : i32
        %dma_start3A_45 = arith.constant 0 : i32
        %dma_start3A_46 = tpu.memref_slice %arg13[%dma_start3A_44, %dma_start3A_45] : memref<10240x128xf32, #tpu.memory_space<vmem_shared>> -> memref<10240x128xf32, #tpu.memory_space<vmem_shared>>
        tpu.enqueue_indirect_dma source(%arg11 : memref<128x128xf32, #tpu.memory_space<vmem>>) target(%dma_start3A_46 : memref<10240x128xf32, #tpu.memory_space<vmem_shared>>) offsets(%arg9 : memref<128xi32, #tpu.memory_space<vmem>>) semaphore(%run_scoped3A_43 : memref<!tpu.dma_semaphore, #tpu.memory_space<semaphore_mem>>) {add = true}
        %dma_wait3A_47 = arith.constant 0 : i32
        %dma_wait3A_48 = arith.constant 0 : i32
        %dma_wait3A_49 = tpu.memref_slice %arg13[%dma_wait3A_47, %dma_wait3A_48] : memref<10240x128xf32, #tpu.memory_space<vmem_shared>> -> memref<10240x128xf32, #tpu.memory_space<vmem_shared>>
        tpu.wait_indirect_dma semaphore(%run_scoped3A_43 : memref<!tpu.dma_semaphore, #tpu.memory_space<semaphore_mem>>) src(%arg11 : memref<128x128xf32, #tpu.memory_space<vmem>>) dst(%dma_wait3A_49 : memref<10240x128xf32, #tpu.memory_space<vmem_shared>>)
        tpu.yield
      }) : () -> ()
      %add3A_29 = arith.constant 2 : i32
      %add3A_30 = arith.addi %mul3A_19, %add3A_29 : i32
      %lt3A = arith.constant 80 : i32
      %lt3A_31 = arith.cmpi slt, %add3A_30, %lt3A : i32
      %convert_element_type3A = arith.extui %lt3A_31 : i1 to i32
      %cond3A = arith.constant 0 : i32
      %cond3A_32 = arith.cmpi ne, %convert_element_type3A, %cond3A : i32
      scf.if %cond3A_32 {
        %add3A_43 = arith.constant 2 : i32
        %add3A_44 = arith.addi %mul3A_19, %add3A_43 : i32
        "tpu.region"() ({
          %run_scoped3A_50 = tpu.sem_alloc : memref<!tpu.dma_semaphore, #tpu.memory_space<semaphore_mem>>
          %dma_start3A_51 = arith.constant 0 : i32
          %dma_start3A_52 = tpu.memref_slice %arg3[%add3A, %add3A_44, %dma_start3A_51] : memref<32x80x128xi32, #tpu.memory_space<hbm>> -> memref<1x1x128xi32, #tpu.memory_space<hbm>>
          %dma_start3A_53 = tpu.memref_squeeze %dma_start3A_52 : memref<1x1x128xi32, #tpu.memory_space<hbm>> -> memref<128xi32, #tpu.memory_space<hbm>>
          %dma_start3A_54 = arith.constant 0 : i32
          %dma_start3A_55 = tpu.memref_slice %arg3[%add3A, %add3A_44, %dma_start3A_54] : memref<32x80x128xi32, #tpu.memory_space<hbm>> -> memref<1x1x128xi32, #tpu.memory_space<hbm>>
          %dma_start3A_56 = tpu.memref_squeeze %dma_start3A_55 : memref<1x1x128xi32, #tpu.memory_space<hbm>> -> memref<128xi32, #tpu.memory_space<hbm>>
          tpu.enqueue_dma source(%dma_start3A_56 : memref<128xi32, #tpu.memory_space<hbm>>) target(%arg7 : memref<128xi32, #tpu.memory_space<vmem>>) target_semaphore(%run_scoped3A_50 : memref<!tpu.dma_semaphore, #tpu.memory_space<semaphore_mem>>)
          %dma_wait3A_57 = arith.constant 0 : i32
          %dma_wait3A_58 = tpu.memref_slice %arg3[%add3A, %add3A_44, %dma_wait3A_57] : memref<32x80x128xi32, #tpu.memory_space<hbm>> -> memref<1x1x128xi32, #tpu.memory_space<hbm>>
          %dma_wait3A_59 = tpu.memref_squeeze %dma_wait3A_58 : memref<1x1x128xi32, #tpu.memory_space<hbm>> -> memref<128xi32, #tpu.memory_space<hbm>>
          %dma_wait3A_60 = arith.constant 0 : i32
          %dma_wait3A_61 = tpu.memref_slice %arg3[%add3A, %add3A_44, %dma_wait3A_60] : memref<32x80x128xi32, #tpu.memory_space<hbm>> -> memref<1x1x128xi32, #tpu.memory_space<hbm>>
          %dma_wait3A_62 = tpu.memref_squeeze %dma_wait3A_61 : memref<1x1x128xi32, #tpu.memory_space<hbm>> -> memref<128xi32, #tpu.memory_space<hbm>>
          tpu.wait_dma2 semaphore(%run_scoped3A_50 : memref<!tpu.dma_semaphore, #tpu.memory_space<semaphore_mem>>) src(%dma_wait3A_62 : memref<128xi32, #tpu.memory_space<hbm>>) dst(%arg7 : memref<128xi32, #tpu.memory_space<vmem>>)
          tpu.yield
        }) : () -> ()
        %add3A_45 = arith.constant 2 : i32
        %add3A_46 = arith.addi %mul3A_19, %add3A_45 : i32
        "tpu.region"() ({
          %run_scoped3A_50 = tpu.sem_alloc : memref<!tpu.dma_semaphore, #tpu.memory_space<semaphore_mem>>
          %dma_start3A_51 = arith.constant 0 : i32
          %dma_start3A_52 = tpu.memref_slice %arg4[%add3A, %add3A_46, %dma_start3A_51] : memref<32x80x128xi32, #tpu.memory_space<hbm>> -> memref<1x1x128xi32, #tpu.memory_space<hbm>>
          %dma_start3A_53 = tpu.memref_squeeze %dma_start3A_52 : memref<1x1x128xi32, #tpu.memory_space<hbm>> -> memref<128xi32, #tpu.memory_space<hbm>>
          %dma_start3A_54 = arith.constant 0 : i32
          %dma_start3A_55 = tpu.memref_slice %arg4[%add3A, %add3A_46, %dma_start3A_54] : memref<32x80x128xi32, #tpu.memory_space<hbm>> -> memref<1x1x128xi32, #tpu.memory_space<hbm>>
          %dma_start3A_56 = tpu.memref_squeeze %dma_start3A_55 : memref<1x1x128xi32, #tpu.memory_space<hbm>> -> memref<128xi32, #tpu.memory_space<hbm>>
          tpu.enqueue_dma source(%dma_start3A_56 : memref<128xi32, #tpu.memory_space<hbm>>) target(%arg9 : memref<128xi32, #tpu.memory_space<vmem>>) target_semaphore(%run_scoped3A_50 : memref<!tpu.dma_semaphore, #tpu.memory_space<semaphore_mem>>)
          %dma_wait3A_57 = arith.constant 0 : i32
          %dma_wait3A_58 = tpu.memref_slice %arg4[%add3A, %add3A_46, %dma_wait3A_57] : memref<32x80x128xi32, #tpu.memory_space<hbm>> -> memref<1x1x128xi32, #tpu.memory_space<hbm>>
          %dma_wait3A_59 = tpu.memref_squeeze %dma_wait3A_58 : memref<1x1x128xi32, #tpu.memory_space<hbm>> -> memref<128xi32, #tpu.memory_space<hbm>>
          %dma_wait3A_60 = arith.constant 0 : i32
          %dma_wait3A_61 = tpu.memref_slice %arg4[%add3A, %add3A_46, %dma_wait3A_60] : memref<32x80x128xi32, #tpu.memory_space<hbm>> -> memref<1x1x128xi32, #tpu.memory_space<hbm>>
          %dma_wait3A_62 = tpu.memref_squeeze %dma_wait3A_61 : memref<1x1x128xi32, #tpu.memory_space<hbm>> -> memref<128xi32, #tpu.memory_space<hbm>>
          tpu.wait_dma2 semaphore(%run_scoped3A_50 : memref<!tpu.dma_semaphore, #tpu.memory_space<semaphore_mem>>) src(%dma_wait3A_62 : memref<128xi32, #tpu.memory_space<hbm>>) dst(%arg9 : memref<128xi32, #tpu.memory_space<vmem>>)
          tpu.yield
        }) : () -> ()
        %dma_start3A_47 = arith.constant 0 : i32
        %dma_start3A_48 = arith.constant 0 : i32
        %dma_start3A_49 = tpu.memref_slice %arg2[%dma_start3A_47, %dma_start3A_48] : memref<10240x128xf32, #tpu.memory_space<hbm>> -> memref<10240x128xf32, #tpu.memory_space<hbm>>
        tpu.enqueue_indirect_dma source(%dma_start3A_49 : memref<10240x128xf32, #tpu.memory_space<hbm>>) target(%arg11 : memref<128x128xf32, #tpu.memory_space<vmem>>) offsets(%arg7 : memref<128xi32, #tpu.memory_space<vmem>>) semaphore(%arg14 : memref<!tpu.dma_semaphore, #tpu.memory_space<semaphore_mem>>)
      } else {
      }
      %dma_wait3A_33 = arith.constant 0 : i32
      %dma_wait3A_34 = arith.constant 0 : i32
      %dma_wait3A_35 = tpu.memref_slice %arg2[%dma_wait3A_33, %dma_wait3A_34] : memref<10240x128xf32, #tpu.memory_space<hbm>> -> memref<10240x128xf32, #tpu.memory_space<hbm>>
      tpu.wait_indirect_dma semaphore(%arg15 : memref<!tpu.dma_semaphore, #tpu.memory_space<semaphore_mem>>) src(%dma_wait3A_35 : memref<10240x128xf32, #tpu.memory_space<hbm>>) dst(%arg12 : memref<128x128xf32, #tpu.memory_space<vmem>>)
      "tpu.region"() ({
        %run_scoped3A_43 = tpu.sem_alloc : memref<!tpu.dma_semaphore, #tpu.memory_space<semaphore_mem>>
        %dma_start3A_44 = arith.constant 0 : i32
        %dma_start3A_45 = arith.constant 0 : i32
        %dma_start3A_46 = tpu.memref_slice %arg13[%dma_start3A_44, %dma_start3A_45] : memref<10240x128xf32, #tpu.memory_space<vmem_shared>> -> memref<10240x128xf32, #tpu.memory_space<vmem_shared>>
        tpu.enqueue_indirect_dma source(%arg12 : memref<128x128xf32, #tpu.memory_space<vmem>>) target(%dma_start3A_46 : memref<10240x128xf32, #tpu.memory_space<vmem_shared>>) offsets(%arg10 : memref<128xi32, #tpu.memory_space<vmem>>) semaphore(%run_scoped3A_43 : memref<!tpu.dma_semaphore, #tpu.memory_space<semaphore_mem>>) {add = true}
        %dma_wait3A_47 = arith.constant 0 : i32
        %dma_wait3A_48 = arith.constant 0 : i32
        %dma_wait3A_49 = tpu.memref_slice %arg13[%dma_wait3A_47, %dma_wait3A_48] : memref<10240x128xf32, #tpu.memory_space<vmem_shared>> -> memref<10240x128xf32, #tpu.memory_space<vmem_shared>>
        tpu.wait_indirect_dma semaphore(%run_scoped3A_43 : memref<!tpu.dma_semaphore, #tpu.memory_space<semaphore_mem>>) src(%arg12 : memref<128x128xf32, #tpu.memory_space<vmem>>) dst(%dma_wait3A_49 : memref<10240x128xf32, #tpu.memory_space<vmem_shared>>)
        tpu.yield
      }) : () -> ()
      %add3A_36 = arith.constant 2 : i32
      %add3A_37 = arith.addi %add3A_23, %add3A_36 : i32
      %lt3A_38 = arith.constant 80 : i32
      %lt3A_39 = arith.cmpi slt, %add3A_37, %lt3A_38 : i32
      %convert_element_type3A_40 = arith.extui %lt3A_39 : i1 to i32
      %cond3A_41 = arith.constant 0 : i32
      %cond3A_42 = arith.cmpi ne, %convert_element_type3A_40, %cond3A_41 : i32
      scf.if %cond3A_42 {
        %add3A_43 = arith.constant 2 : i32
        %add3A_44 = arith.addi %add3A_23, %add3A_43 : i32
        "tpu.region"() ({
          %run_scoped3A_47 = tpu.sem_alloc : memref<!tpu.dma_semaphore, #tpu.memory_space<semaphore_mem>>
          %dma_start3A_48 = arith.constant 0 : i32
          %dma_start3A_49 = tpu.memref_slice %arg3[%add3A, %add3A_44, %dma_start3A_48] : memref<32x80x128xi32, #tpu.memory_space<hbm>> -> memref<1x1x128xi32, #tpu.memory_space<hbm>>
          %dma_start3A_50 = tpu.memref_squeeze %dma_start3A_49 : memref<1x1x128xi32, #tpu.memory_space<hbm>> -> memref<128xi32, #tpu.memory_space<hbm>>
          %dma_start3A_51 = arith.constant 0 : i32
          %dma_start3A_52 = tpu.memref_slice %arg3[%add3A, %add3A_44, %dma_start3A_51] : memref<32x80x128xi32, #tpu.memory_space<hbm>> -> memref<1x1x128xi32, #tpu.memory_space<hbm>>
          %dma_start3A_53 = tpu.memref_squeeze %dma_start3A_52 : memref<1x1x128xi32, #tpu.memory_space<hbm>> -> memref<128xi32, #tpu.memory_space<hbm>>
          tpu.enqueue_dma source(%dma_start3A_53 : memref<128xi32, #tpu.memory_space<hbm>>) target(%arg8 : memref<128xi32, #tpu.memory_space<vmem>>) target_semaphore(%run_scoped3A_47 : memref<!tpu.dma_semaphore, #tpu.memory_space<semaphore_mem>>)
          %dma_wait3A_54 = arith.constant 0 : i32
          %dma_wait3A_55 = tpu.memref_slice %arg3[%add3A, %add3A_44, %dma_wait3A_54] : memref<32x80x128xi32, #tpu.memory_space<hbm>> -> memref<1x1x128xi32, #tpu.memory_space<hbm>>
          %dma_wait3A_56 = tpu.memref_squeeze %dma_wait3A_55 : memref<1x1x128xi32, #tpu.memory_space<hbm>> -> memref<128xi32, #tpu.memory_space<hbm>>
          %dma_wait3A_57 = arith.constant 0 : i32
          %dma_wait3A_58 = tpu.memref_slice %arg3[%add3A, %add3A_44, %dma_wait3A_57] : memref<32x80x128xi32, #tpu.memory_space<hbm>> -> memref<1x1x128xi32, #tpu.memory_space<hbm>>
          %dma_wait3A_59 = tpu.memref_squeeze %dma_wait3A_58 : memref<1x1x128xi32, #tpu.memory_space<hbm>> -> memref<128xi32, #tpu.memory_space<hbm>>
          tpu.wait_dma2 semaphore(%run_scoped3A_47 : memref<!tpu.dma_semaphore, #tpu.memory_space<semaphore_mem>>) src(%dma_wait3A_59 : memref<128xi32, #tpu.memory_space<hbm>>) dst(%arg8 : memref<128xi32, #tpu.memory_space<vmem>>)
          tpu.yield
        }) : () -> ()
        %add3A_45 = arith.constant 2 : i32
        %add3A_46 = arith.addi %add3A_23, %add3A_45 : i32
        "tpu.region"() ({
          %run_scoped3A_47 = tpu.sem_alloc : memref<!tpu.dma_semaphore, #tpu.memory_space<semaphore_mem>>
          %dma_start3A_48 = arith.constant 0 : i32
          %dma_start3A_49 = tpu.memref_slice %arg4[%add3A, %add3A_46, %dma_start3A_48] : memref<32x80x128xi32, #tpu.memory_space<hbm>> -> memref<1x1x128xi32, #tpu.memory_space<hbm>>
          %dma_start3A_50 = tpu.memref_squeeze %dma_start3A_49 : memref<1x1x128xi32, #tpu.memory_space<hbm>> -> memref<128xi32, #tpu.memory_space<hbm>>
          %dma_start3A_51 = arith.constant 0 : i32
          %dma_start3A_52 = tpu.memref_slice %arg4[%add3A, %add3A_46, %dma_start3A_51] : memref<32x80x128xi32, #tpu.memory_space<hbm>> -> memref<1x1x128xi32, #tpu.memory_space<hbm>>
          %dma_start3A_53 = tpu.memref_squeeze %dma_start3A_52 : memref<1x1x128xi32, #tpu.memory_space<hbm>> -> memref<128xi32, #tpu.memory_space<hbm>>
          tpu.enqueue_dma source(%dma_start3A_53 : memref<128xi32, #tpu.memory_space<hbm>>) target(%arg10 : memref<128xi32, #tpu.memory_space<vmem>>) target_semaphore(%run_scoped3A_47 : memref<!tpu.dma_semaphore, #tpu.memory_space<semaphore_mem>>)
          %dma_wait3A_54 = arith.constant 0 : i32
          %dma_wait3A_55 = tpu.memref_slice %arg4[%add3A, %add3A_46, %dma_wait3A_54] : memref<32x80x128xi32, #tpu.memory_space<hbm>> -> memref<1x1x128xi32, #tpu.memory_space<hbm>>
          %dma_wait3A_56 = tpu.memref_squeeze %dma_wait3A_55 : memref<1x1x128xi32, #tpu.memory_space<hbm>> -> memref<128xi32, #tpu.memory_space<hbm>>
          %dma_wait3A_57 = arith.constant 0 : i32
          %dma_wait3A_58 = tpu.memref_slice %arg4[%add3A, %add3A_46, %dma_wait3A_57] : memref<32x80x128xi32, #tpu.memory_space<hbm>> -> memref<1x1x128xi32, #tpu.memory_space<hbm>>
          %dma_wait3A_59 = tpu.memref_squeeze %dma_wait3A_58 : memref<1x1x128xi32, #tpu.memory_space<hbm>> -> memref<128xi32, #tpu.memory_space<hbm>>
          tpu.wait_dma2 semaphore(%run_scoped3A_47 : memref<!tpu.dma_semaphore, #tpu.memory_space<semaphore_mem>>) src(%dma_wait3A_59 : memref<128xi32, #tpu.memory_space<hbm>>) dst(%arg10 : memref<128xi32, #tpu.memory_space<vmem>>)
          tpu.yield
        }) : () -> ()
      } else {
      }
    }
    %scan3A_11 = arith.constant 40 : i32
    %barrier3A_12 = arith.constant 0 : index
    tpu.barrier barrier_id(%barrier3A_12)
    %mul3A_13 = arith.constant 640 : i32
    %mul3A_14 = arith.muli %arg1, %mul3A_13 : i32
    %mul3A_15 = arith.constant 640 : i32
    %mul3A_16 = arith.muli %arg1, %mul3A_15 : i32
    "tpu.region"() ({
      %run_scoped3A_17 = tpu.sem_alloc : memref<!tpu.dma_semaphore, #tpu.memory_space<semaphore_mem>>
      %dma_start3A_18 = arith.constant 0 : i32
      %dma_start3A_19 = tpu.memref_slice %arg6[%arg0, %mul3A_16, %dma_start3A_18] : memref<2x10240x128xf32, #tpu.memory_space<hbm>> -> memref<1x640x128xf32, #tpu.memory_space<hbm>>
      %dma_start3A_20 = tpu.memref_squeeze %dma_start3A_19 : memref<1x640x128xf32, #tpu.memory_space<hbm>> -> memref<640x128xf32, #tpu.memory_space<hbm>>
      %dma_start3A_21 = arith.constant 0 : i32
      %dma_start3A_22 = tpu.memref_slice %arg13[%mul3A_14, %dma_start3A_21] : memref<10240x128xf32, #tpu.memory_space<vmem_shared>> -> memref<640x128xf32, #tpu.memory_space<vmem_shared>>
      tpu.enqueue_dma source(%dma_start3A_22 : memref<640x128xf32, #tpu.memory_space<vmem_shared>>) target(%dma_start3A_20 : memref<640x128xf32, #tpu.memory_space<hbm>>) target_semaphore(%run_scoped3A_17 : memref<!tpu.dma_semaphore, #tpu.memory_space<semaphore_mem>>)
      %dma_wait3A = arith.constant 0 : i32
      %dma_wait3A_23 = tpu.memref_slice %arg6[%arg0, %mul3A_16, %dma_wait3A] : memref<2x10240x128xf32, #tpu.memory_space<hbm>> -> memref<1x640x128xf32, #tpu.memory_space<hbm>>
      %dma_wait3A_24 = tpu.memref_squeeze %dma_wait3A_23 : memref<1x640x128xf32, #tpu.memory_space<hbm>> -> memref<640x128xf32, #tpu.memory_space<hbm>>
      %dma_wait3A_25 = arith.constant 0 : i32
      %dma_wait3A_26 = tpu.memref_slice %arg13[%mul3A_14, %dma_wait3A_25] : memref<10240x128xf32, #tpu.memory_space<vmem_shared>> -> memref<640x128xf32, #tpu.memory_space<vmem_shared>>
      tpu.wait_dma2 semaphore(%run_scoped3A_17 : memref<!tpu.dma_semaphore, #tpu.memory_space<semaphore_mem>>) src(%dma_wait3A_26 : memref<640x128xf32, #tpu.memory_space<vmem_shared>>) dst(%dma_wait3A_24 : memref<640x128xf32, #tpu.memory_space<hbm>>)
      tpu.yield
    }) : () -> ()
    return
  }
}

#map = affine_map<(d0, d1) -> (0, 0, 0)>
#map1 = affine_map<(d0, d1) -> (0, 0)>
module attributes {stable_mosaic.version = 14 : i64} {
  func.func @_deg_sc(%arg0: i32, %arg1: i32, %arg2: memref<32x80x128xi32, #tpu.memory_space<hbm>>, %arg3: memref<128x128xf32, #tpu.memory_space<hbm>>, %arg4: memref<640x128xf32, #tpu.memory_space<hbm>>, %arg5: memref<2x10240x128xf32, #tpu.memory_space<hbm>>, %arg6: memref<80x128xi32, #tpu.memory_space<vmem>>, %arg7: memref<128x128xf32, #tpu.memory_space<vmem>>, %arg8: memref<10240x128xf32, #tpu.memory_space<vmem_shared>>) attributes {dimension_semantics = [#tpu.dimension_semantics<core_parallel>, #tpu.dimension_semantics<subcore_parallel>], iteration_bounds = array<i64: 2, 16>, scalar_prefetch = 0 : i64, scratch_operands = 3 : i64, tpu.core_type = #tpu.core_type<sc_vector_subcore>, window_params = [{transform_indices = #map}, {transform_indices = #map1}, {transform_indices = #map1}, {transform_indices = #map}]} {
    %mul3A = arith.constant 2 : i32
    %mul3A_0 = arith.muli %arg1, %mul3A : i32
    %add3A = arith.addi %mul3A_0, %arg0 : i32
    %mul3A_1 = arith.constant 640 : i32
    %mul3A_2 = arith.muli %arg1, %mul3A_1 : i32
    "tpu.region"() ({
      %run_scoped3A = tpu.sem_alloc : memref<!tpu.dma_semaphore, #tpu.memory_space<semaphore_mem>>
      %dma_start3A = arith.constant 0 : i32
      %dma_start3A_12 = tpu.memref_slice %arg8[%mul3A_2, %dma_start3A] : memref<10240x128xf32, #tpu.memory_space<vmem_shared>> -> memref<640x128xf32, #tpu.memory_space<vmem_shared>>
      tpu.enqueue_dma source(%arg4 : memref<640x128xf32, #tpu.memory_space<hbm>>) target(%dma_start3A_12 : memref<640x128xf32, #tpu.memory_space<vmem_shared>>) target_semaphore(%run_scoped3A : memref<!tpu.dma_semaphore, #tpu.memory_space<semaphore_mem>>)
      %dma_wait3A = arith.constant 0 : i32
      %dma_wait3A_13 = tpu.memref_slice %arg8[%mul3A_2, %dma_wait3A] : memref<10240x128xf32, #tpu.memory_space<vmem_shared>> -> memref<640x128xf32, #tpu.memory_space<vmem_shared>>
      tpu.wait_dma2 semaphore(%run_scoped3A : memref<!tpu.dma_semaphore, #tpu.memory_space<semaphore_mem>>) src(%arg4 : memref<640x128xf32, #tpu.memory_space<hbm>>) dst(%dma_wait3A_13 : memref<640x128xf32, #tpu.memory_space<vmem_shared>>)
      tpu.yield
    }) : () -> ()
    "tpu.region"() ({
      %run_scoped3A = tpu.sem_alloc : memref<!tpu.dma_semaphore, #tpu.memory_space<semaphore_mem>>
      %dma_start3A = arith.constant 0 : i32
      %dma_start3A_12 = arith.constant 0 : i32
      %dma_start3A_13 = tpu.memref_slice %arg2[%add3A, %dma_start3A, %dma_start3A_12] : memref<32x80x128xi32, #tpu.memory_space<hbm>> -> memref<1x80x128xi32, #tpu.memory_space<hbm>>
      %dma_start3A_14 = tpu.memref_squeeze %dma_start3A_13 : memref<1x80x128xi32, #tpu.memory_space<hbm>> -> memref<80x128xi32, #tpu.memory_space<hbm>>
      %dma_start3A_15 = arith.constant 0 : i32
      %dma_start3A_16 = arith.constant 0 : i32
      %dma_start3A_17 = tpu.memref_slice %arg2[%add3A, %dma_start3A_15, %dma_start3A_16] : memref<32x80x128xi32, #tpu.memory_space<hbm>> -> memref<1x80x128xi32, #tpu.memory_space<hbm>>
      %dma_start3A_18 = tpu.memref_squeeze %dma_start3A_17 : memref<1x80x128xi32, #tpu.memory_space<hbm>> -> memref<80x128xi32, #tpu.memory_space<hbm>>
      tpu.enqueue_dma source(%dma_start3A_18 : memref<80x128xi32, #tpu.memory_space<hbm>>) target(%arg6 : memref<80x128xi32, #tpu.memory_space<vmem>>) target_semaphore(%run_scoped3A : memref<!tpu.dma_semaphore, #tpu.memory_space<semaphore_mem>>)
      %dma_wait3A = arith.constant 0 : i32
      %dma_wait3A_19 = arith.constant 0 : i32
      %dma_wait3A_20 = tpu.memref_slice %arg2[%add3A, %dma_wait3A, %dma_wait3A_19] : memref<32x80x128xi32, #tpu.memory_space<hbm>> -> memref<1x80x128xi32, #tpu.memory_space<hbm>>
      %dma_wait3A_21 = tpu.memref_squeeze %dma_wait3A_20 : memref<1x80x128xi32, #tpu.memory_space<hbm>> -> memref<80x128xi32, #tpu.memory_space<hbm>>
      %dma_wait3A_22 = arith.constant 0 : i32
      %dma_wait3A_23 = arith.constant 0 : i32
      %dma_wait3A_24 = tpu.memref_slice %arg2[%add3A, %dma_wait3A_22, %dma_wait3A_23] : memref<32x80x128xi32, #tpu.memory_space<hbm>> -> memref<1x80x128xi32, #tpu.memory_space<hbm>>
      %dma_wait3A_25 = tpu.memref_squeeze %dma_wait3A_24 : memref<1x80x128xi32, #tpu.memory_space<hbm>> -> memref<80x128xi32, #tpu.memory_space<hbm>>
      tpu.wait_dma2 semaphore(%run_scoped3A : memref<!tpu.dma_semaphore, #tpu.memory_space<semaphore_mem>>) src(%dma_wait3A_25 : memref<80x128xi32, #tpu.memory_space<hbm>>) dst(%arg6 : memref<80x128xi32, #tpu.memory_space<vmem>>)
      tpu.yield
    }) : () -> ()
    "tpu.region"() ({
      %run_scoped3A = tpu.sem_alloc : memref<!tpu.dma_semaphore, #tpu.memory_space<semaphore_mem>>
      tpu.enqueue_dma source(%arg3 : memref<128x128xf32, #tpu.memory_space<hbm>>) target(%arg7 : memref<128x128xf32, #tpu.memory_space<vmem>>) target_semaphore(%run_scoped3A : memref<!tpu.dma_semaphore, #tpu.memory_space<semaphore_mem>>)
      tpu.wait_dma2 semaphore(%run_scoped3A : memref<!tpu.dma_semaphore, #tpu.memory_space<semaphore_mem>>) src(%arg3 : memref<128x128xf32, #tpu.memory_space<hbm>>) dst(%arg7 : memref<128x128xf32, #tpu.memory_space<vmem>>)
      tpu.yield
    }) : () -> ()
    %barrier3A = arith.constant 0 : index
    tpu.barrier barrier_id(%barrier3A)
    %scan3A = arith.constant 0 : i32
    %scan3A_3 = arith.constant 80 : i32
    %scan3A_4 = arith.addi %scan3A, %scan3A_3 : i32
    %scan3A_5 = arith.constant 1 : i32
    scf.for %scan3A_12 = %scan3A to %scan3A_4 step %scan3A_5  : i32 {
      "tpu.region"() ({
        %run_scoped3A = tpu.sem_alloc : memref<!tpu.dma_semaphore, #tpu.memory_space<semaphore_mem>>
        %dma_start3A = arith.constant 0 : i32
        %dma_start3A_13 = tpu.memref_slice %arg6[%scan3A_12, %dma_start3A] : memref<80x128xi32, #tpu.memory_space<vmem>> -> memref<1x128xi32, #tpu.memory_space<vmem>>
        %dma_start3A_14 = tpu.memref_squeeze %dma_start3A_13 : memref<1x128xi32, #tpu.memory_space<vmem>> -> memref<128xi32, #tpu.memory_space<vmem>>
        %dma_start3A_15 = arith.constant 0 : i32
        %dma_start3A_16 = arith.constant 0 : i32
        %dma_start3A_17 = tpu.memref_slice %arg8[%dma_start3A_15, %dma_start3A_16] : memref<10240x128xf32, #tpu.memory_space<vmem_shared>> -> memref<10240x128xf32, #tpu.memory_space<vmem_shared>>
        tpu.enqueue_indirect_dma source(%arg7 : memref<128x128xf32, #tpu.memory_space<vmem>>) target(%dma_start3A_17 : memref<10240x128xf32, #tpu.memory_space<vmem_shared>>) offsets(%dma_start3A_14 : memref<128xi32, #tpu.memory_space<vmem>>) semaphore(%run_scoped3A : memref<!tpu.dma_semaphore, #tpu.memory_space<semaphore_mem>>) {add = true}
        %dma_wait3A = arith.constant 0 : i32
        %dma_wait3A_18 = tpu.memref_slice %arg6[%scan3A_12, %dma_wait3A] : memref<80x128xi32, #tpu.memory_space<vmem>> -> memref<1x128xi32, #tpu.memory_space<vmem>>
        %dma_wait3A_19 = tpu.memref_squeeze %dma_wait3A_18 : memref<1x128xi32, #tpu.memory_space<vmem>> -> memref<128xi32, #tpu.memory_space<vmem>>
        %dma_wait3A_20 = arith.constant 0 : i32
        %dma_wait3A_21 = arith.constant 0 : i32
        %dma_wait3A_22 = tpu.memref_slice %arg8[%dma_wait3A_20, %dma_wait3A_21] : memref<10240x128xf32, #tpu.memory_space<vmem_shared>> -> memref<10240x128xf32, #tpu.memory_space<vmem_shared>>
        tpu.wait_indirect_dma semaphore(%run_scoped3A : memref<!tpu.dma_semaphore, #tpu.memory_space<semaphore_mem>>) src(%arg7 : memref<128x128xf32, #tpu.memory_space<vmem>>) dst(%dma_wait3A_22 : memref<10240x128xf32, #tpu.memory_space<vmem_shared>>)
        tpu.yield
      }) : () -> ()
    }
    %scan3A_6 = arith.constant 80 : i32
    %barrier3A_7 = arith.constant 0 : index
    tpu.barrier barrier_id(%barrier3A_7)
    %mul3A_8 = arith.constant 640 : i32
    %mul3A_9 = arith.muli %arg1, %mul3A_8 : i32
    %mul3A_10 = arith.constant 640 : i32
    %mul3A_11 = arith.muli %arg1, %mul3A_10 : i32
    "tpu.region"() ({
      %run_scoped3A = tpu.sem_alloc : memref<!tpu.dma_semaphore, #tpu.memory_space<semaphore_mem>>
      %dma_start3A = arith.constant 0 : i32
      %dma_start3A_12 = tpu.memref_slice %arg5[%arg0, %mul3A_11, %dma_start3A] : memref<2x10240x128xf32, #tpu.memory_space<hbm>> -> memref<1x640x128xf32, #tpu.memory_space<hbm>>
      %dma_start3A_13 = tpu.memref_squeeze %dma_start3A_12 : memref<1x640x128xf32, #tpu.memory_space<hbm>> -> memref<640x128xf32, #tpu.memory_space<hbm>>
      %dma_start3A_14 = arith.constant 0 : i32
      %dma_start3A_15 = tpu.memref_slice %arg8[%mul3A_9, %dma_start3A_14] : memref<10240x128xf32, #tpu.memory_space<vmem_shared>> -> memref<640x128xf32, #tpu.memory_space<vmem_shared>>
      tpu.enqueue_dma source(%dma_start3A_15 : memref<640x128xf32, #tpu.memory_space<vmem_shared>>) target(%dma_start3A_13 : memref<640x128xf32, #tpu.memory_space<hbm>>) target_semaphore(%run_scoped3A : memref<!tpu.dma_semaphore, #tpu.memory_space<semaphore_mem>>)
      %dma_wait3A = arith.constant 0 : i32
      %dma_wait3A_16 = tpu.memref_slice %arg5[%arg0, %mul3A_11, %dma_wait3A] : memref<2x10240x128xf32, #tpu.memory_space<hbm>> -> memref<1x640x128xf32, #tpu.memory_space<hbm>>
      %dma_wait3A_17 = tpu.memref_squeeze %dma_wait3A_16 : memref<1x640x128xf32, #tpu.memory_space<hbm>> -> memref<640x128xf32, #tpu.memory_space<hbm>>
      %dma_wait3A_18 = arith.constant 0 : i32
      %dma_wait3A_19 = tpu.memref_slice %arg8[%mul3A_9, %dma_wait3A_18] : memref<10240x128xf32, #tpu.memory_space<vmem_shared>> -> memref<640x128xf32, #tpu.memory_space<vmem_shared>>
      tpu.wait_dma2 semaphore(%run_scoped3A : memref<!tpu.dma_semaphore, #tpu.memory_space<semaphore_mem>>) src(%dma_wait3A_19 : memref<640x128xf32, #tpu.memory_space<vmem_shared>>) dst(%dma_wait3A_17 : memref<640x128xf32, #tpu.memory_space<hbm>>)
      tpu.yield
    }) : () -> ()
    return
  }
}

#map = affine_map<(d0, d1) -> (0, 0)>
#map1 = affine_map<(d0, d1) -> (0, 0, 0)>
module attributes {stable_mosaic.version = 14 : i64} {
  func.func @agg(%arg0: i32, %arg1: i32, %arg2: memref<10240x48xf32, #tpu.memory_space<hbm>>, %arg3: memref<32x80x128xi32, #tpu.memory_space<hbm>>, %arg4: memref<32x80x128xi32, #tpu.memory_space<hbm>>, %arg5: memref<640x48xf32, #tpu.memory_space<hbm>>, %arg6: memref<2x10240x48xf32, #tpu.memory_space<hbm>>, %arg7: memref<128xi32, #tpu.memory_space<vmem>>, %arg8: memref<128xi32, #tpu.memory_space<vmem>>, %arg9: memref<128xi32, #tpu.memory_space<vmem>>, %arg10: memref<128xi32, #tpu.memory_space<vmem>>, %arg11: memref<128x48xf32, #tpu.memory_space<vmem>>, %arg12: memref<128x48xf32, #tpu.memory_space<vmem>>, %arg13: memref<10240x48xf32, #tpu.memory_space<vmem_shared>>, %arg14: memref<!tpu.dma_semaphore, #tpu.memory_space<semaphore_mem>>, %arg15: memref<!tpu.dma_semaphore, #tpu.memory_space<semaphore_mem>>) attributes {dimension_semantics = [#tpu.dimension_semantics<core_parallel>, #tpu.dimension_semantics<subcore_parallel>], iteration_bounds = array<i64: 2, 16>, scalar_prefetch = 0 : i64, scratch_operands = 9 : i64, tpu.core_type = #tpu.core_type<sc_vector_subcore>, window_params = [{transform_indices = #map}, {transform_indices = #map1}, {transform_indices = #map1}, {transform_indices = #map}, {transform_indices = #map1}]} {
    %mul3A = arith.constant 2 : i32
    %mul3A_0 = arith.muli %arg1, %mul3A : i32
    %add3A = arith.addi %mul3A_0, %arg0 : i32
    %mul3A_1 = arith.constant 640 : i32
    %mul3A_2 = arith.muli %arg1, %mul3A_1 : i32
    "tpu.region"() ({
      %run_scoped3A_17 = tpu.sem_alloc : memref<!tpu.dma_semaphore, #tpu.memory_space<semaphore_mem>>
      %dma_start3A_18 = arith.constant 0 : i32
      %dma_start3A_19 = tpu.memref_slice %arg13[%mul3A_2, %dma_start3A_18] : memref<10240x48xf32, #tpu.memory_space<vmem_shared>> -> memref<640x48xf32, #tpu.memory_space<vmem_shared>>
      tpu.enqueue_dma source(%arg5 : memref<640x48xf32, #tpu.memory_space<hbm>>) target(%dma_start3A_19 : memref<640x48xf32, #tpu.memory_space<vmem_shared>>) target_semaphore(%run_scoped3A_17 : memref<!tpu.dma_semaphore, #tpu.memory_space<semaphore_mem>>)
      %dma_wait3A = arith.constant 0 : i32
      %dma_wait3A_20 = tpu.memref_slice %arg13[%mul3A_2, %dma_wait3A] : memref<10240x48xf32, #tpu.memory_space<vmem_shared>> -> memref<640x48xf32, #tpu.memory_space<vmem_shared>>
      tpu.wait_dma2 semaphore(%run_scoped3A_17 : memref<!tpu.dma_semaphore, #tpu.memory_space<semaphore_mem>>) src(%arg5 : memref<640x48xf32, #tpu.memory_space<hbm>>) dst(%dma_wait3A_20 : memref<640x48xf32, #tpu.memory_space<vmem_shared>>)
      tpu.yield
    }) : () -> ()
    %run_scoped3A = arith.constant 0 : i32
    "tpu.region"() ({
      %run_scoped3A_17 = tpu.sem_alloc : memref<!tpu.dma_semaphore, #tpu.memory_space<semaphore_mem>>
      %dma_start3A_18 = arith.constant 0 : i32
      %dma_start3A_19 = tpu.memref_slice %arg3[%add3A, %run_scoped3A, %dma_start3A_18] : memref<32x80x128xi32, #tpu.memory_space<hbm>> -> memref<1x1x128xi32, #tpu.memory_space<hbm>>
      %dma_start3A_20 = tpu.memref_squeeze %dma_start3A_19 : memref<1x1x128xi32, #tpu.memory_space<hbm>> -> memref<128xi32, #tpu.memory_space<hbm>>
      %dma_start3A_21 = arith.constant 0 : i32
      %dma_start3A_22 = tpu.memref_slice %arg3[%add3A, %run_scoped3A, %dma_start3A_21] : memref<32x80x128xi32, #tpu.memory_space<hbm>> -> memref<1x1x128xi32, #tpu.memory_space<hbm>>
      %dma_start3A_23 = tpu.memref_squeeze %dma_start3A_22 : memref<1x1x128xi32, #tpu.memory_space<hbm>> -> memref<128xi32, #tpu.memory_space<hbm>>
      tpu.enqueue_dma source(%dma_start3A_23 : memref<128xi32, #tpu.memory_space<hbm>>) target(%arg7 : memref<128xi32, #tpu.memory_space<vmem>>) target_semaphore(%run_scoped3A_17 : memref<!tpu.dma_semaphore, #tpu.memory_space<semaphore_mem>>)
      %dma_wait3A = arith.constant 0 : i32
      %dma_wait3A_24 = tpu.memref_slice %arg3[%add3A, %run_scoped3A, %dma_wait3A] : memref<32x80x128xi32, #tpu.memory_space<hbm>> -> memref<1x1x128xi32, #tpu.memory_space<hbm>>
      %dma_wait3A_25 = tpu.memref_squeeze %dma_wait3A_24 : memref<1x1x128xi32, #tpu.memory_space<hbm>> -> memref<128xi32, #tpu.memory_space<hbm>>
      %dma_wait3A_26 = arith.constant 0 : i32
      %dma_wait3A_27 = tpu.memref_slice %arg3[%add3A, %run_scoped3A, %dma_wait3A_26] : memref<32x80x128xi32, #tpu.memory_space<hbm>> -> memref<1x1x128xi32, #tpu.memory_space<hbm>>
      %dma_wait3A_28 = tpu.memref_squeeze %dma_wait3A_27 : memref<1x1x128xi32, #tpu.memory_space<hbm>> -> memref<128xi32, #tpu.memory_space<hbm>>
      tpu.wait_dma2 semaphore(%run_scoped3A_17 : memref<!tpu.dma_semaphore, #tpu.memory_space<semaphore_mem>>) src(%dma_wait3A_28 : memref<128xi32, #tpu.memory_space<hbm>>) dst(%arg7 : memref<128xi32, #tpu.memory_space<vmem>>)
      tpu.yield
    }) : () -> ()
    %run_scoped3A_3 = arith.constant 0 : i32
    "tpu.region"() ({
      %run_scoped3A_17 = tpu.sem_alloc : memref<!tpu.dma_semaphore, #tpu.memory_space<semaphore_mem>>
      %dma_start3A_18 = arith.constant 0 : i32
      %dma_start3A_19 = tpu.memref_slice %arg4[%add3A, %run_scoped3A_3, %dma_start3A_18] : memref<32x80x128xi32, #tpu.memory_space<hbm>> -> memref<1x1x128xi32, #tpu.memory_space<hbm>>
      %dma_start3A_20 = tpu.memref_squeeze %dma_start3A_19 : memref<1x1x128xi32, #tpu.memory_space<hbm>> -> memref<128xi32, #tpu.memory_space<hbm>>
      %dma_start3A_21 = arith.constant 0 : i32
      %dma_start3A_22 = tpu.memref_slice %arg4[%add3A, %run_scoped3A_3, %dma_start3A_21] : memref<32x80x128xi32, #tpu.memory_space<hbm>> -> memref<1x1x128xi32, #tpu.memory_space<hbm>>
      %dma_start3A_23 = tpu.memref_squeeze %dma_start3A_22 : memref<1x1x128xi32, #tpu.memory_space<hbm>> -> memref<128xi32, #tpu.memory_space<hbm>>
      tpu.enqueue_dma source(%dma_start3A_23 : memref<128xi32, #tpu.memory_space<hbm>>) target(%arg9 : memref<128xi32, #tpu.memory_space<vmem>>) target_semaphore(%run_scoped3A_17 : memref<!tpu.dma_semaphore, #tpu.memory_space<semaphore_mem>>)
      %dma_wait3A = arith.constant 0 : i32
      %dma_wait3A_24 = tpu.memref_slice %arg4[%add3A, %run_scoped3A_3, %dma_wait3A] : memref<32x80x128xi32, #tpu.memory_space<hbm>> -> memref<1x1x128xi32, #tpu.memory_space<hbm>>
      %dma_wait3A_25 = tpu.memref_squeeze %dma_wait3A_24 : memref<1x1x128xi32, #tpu.memory_space<hbm>> -> memref<128xi32, #tpu.memory_space<hbm>>
      %dma_wait3A_26 = arith.constant 0 : i32
      %dma_wait3A_27 = tpu.memref_slice %arg4[%add3A, %run_scoped3A_3, %dma_wait3A_26] : memref<32x80x128xi32, #tpu.memory_space<hbm>> -> memref<1x1x128xi32, #tpu.memory_space<hbm>>
      %dma_wait3A_28 = tpu.memref_squeeze %dma_wait3A_27 : memref<1x1x128xi32, #tpu.memory_space<hbm>> -> memref<128xi32, #tpu.memory_space<hbm>>
      tpu.wait_dma2 semaphore(%run_scoped3A_17 : memref<!tpu.dma_semaphore, #tpu.memory_space<semaphore_mem>>) src(%dma_wait3A_28 : memref<128xi32, #tpu.memory_space<hbm>>) dst(%arg9 : memref<128xi32, #tpu.memory_space<vmem>>)
      tpu.yield
    }) : () -> ()
    %barrier3A = arith.constant 0 : index
    tpu.barrier barrier_id(%barrier3A)
    %dma_start3A = arith.constant 0 : i32
    %dma_start3A_4 = arith.constant 0 : i32
    %dma_start3A_5 = tpu.memref_slice %arg2[%dma_start3A, %dma_start3A_4] : memref<10240x48xf32, #tpu.memory_space<hbm>> -> memref<10240x48xf32, #tpu.memory_space<hbm>>
    tpu.enqueue_indirect_dma source(%dma_start3A_5 : memref<10240x48xf32, #tpu.memory_space<hbm>>) target(%arg11 : memref<128x48xf32, #tpu.memory_space<vmem>>) offsets(%arg7 : memref<128xi32, #tpu.memory_space<vmem>>) semaphore(%arg14 : memref<!tpu.dma_semaphore, #tpu.memory_space<semaphore_mem>>)
    %run_scoped3A_6 = arith.constant 1 : i32
    "tpu.region"() ({
      %run_scoped3A_17 = tpu.sem_alloc : memref<!tpu.dma_semaphore, #tpu.memory_space<semaphore_mem>>
      %dma_start3A_18 = arith.constant 0 : i32
      %dma_start3A_19 = tpu.memref_slice %arg3[%add3A, %run_scoped3A_6, %dma_start3A_18] : memref<32x80x128xi32, #tpu.memory_space<hbm>> -> memref<1x1x128xi32, #tpu.memory_space<hbm>>
      %dma_start3A_20 = tpu.memref_squeeze %dma_start3A_19 : memref<1x1x128xi32, #tpu.memory_space<hbm>> -> memref<128xi32, #tpu.memory_space<hbm>>
      %dma_start3A_21 = arith.constant 0 : i32
      %dma_start3A_22 = tpu.memref_slice %arg3[%add3A, %run_scoped3A_6, %dma_start3A_21] : memref<32x80x128xi32, #tpu.memory_space<hbm>> -> memref<1x1x128xi32, #tpu.memory_space<hbm>>
      %dma_start3A_23 = tpu.memref_squeeze %dma_start3A_22 : memref<1x1x128xi32, #tpu.memory_space<hbm>> -> memref<128xi32, #tpu.memory_space<hbm>>
      tpu.enqueue_dma source(%dma_start3A_23 : memref<128xi32, #tpu.memory_space<hbm>>) target(%arg8 : memref<128xi32, #tpu.memory_space<vmem>>) target_semaphore(%run_scoped3A_17 : memref<!tpu.dma_semaphore, #tpu.memory_space<semaphore_mem>>)
      %dma_wait3A = arith.constant 0 : i32
      %dma_wait3A_24 = tpu.memref_slice %arg3[%add3A, %run_scoped3A_6, %dma_wait3A] : memref<32x80x128xi32, #tpu.memory_space<hbm>> -> memref<1x1x128xi32, #tpu.memory_space<hbm>>
      %dma_wait3A_25 = tpu.memref_squeeze %dma_wait3A_24 : memref<1x1x128xi32, #tpu.memory_space<hbm>> -> memref<128xi32, #tpu.memory_space<hbm>>
      %dma_wait3A_26 = arith.constant 0 : i32
      %dma_wait3A_27 = tpu.memref_slice %arg3[%add3A, %run_scoped3A_6, %dma_wait3A_26] : memref<32x80x128xi32, #tpu.memory_space<hbm>> -> memref<1x1x128xi32, #tpu.memory_space<hbm>>
      %dma_wait3A_28 = tpu.memref_squeeze %dma_wait3A_27 : memref<1x1x128xi32, #tpu.memory_space<hbm>> -> memref<128xi32, #tpu.memory_space<hbm>>
      tpu.wait_dma2 semaphore(%run_scoped3A_17 : memref<!tpu.dma_semaphore, #tpu.memory_space<semaphore_mem>>) src(%dma_wait3A_28 : memref<128xi32, #tpu.memory_space<hbm>>) dst(%arg8 : memref<128xi32, #tpu.memory_space<vmem>>)
      tpu.yield
    }) : () -> ()
    %run_scoped3A_7 = arith.constant 1 : i32
    "tpu.region"() ({
      %run_scoped3A_17 = tpu.sem_alloc : memref<!tpu.dma_semaphore, #tpu.memory_space<semaphore_mem>>
      %dma_start3A_18 = arith.constant 0 : i32
      %dma_start3A_19 = tpu.memref_slice %arg4[%add3A, %run_scoped3A_7, %dma_start3A_18] : memref<32x80x128xi32, #tpu.memory_space<hbm>> -> memref<1x1x128xi32, #tpu.memory_space<hbm>>
      %dma_start3A_20 = tpu.memref_squeeze %dma_start3A_19 : memref<1x1x128xi32, #tpu.memory_space<hbm>> -> memref<128xi32, #tpu.memory_space<hbm>>
      %dma_start3A_21 = arith.constant 0 : i32
      %dma_start3A_22 = tpu.memref_slice %arg4[%add3A, %run_scoped3A_7, %dma_start3A_21] : memref<32x80x128xi32, #tpu.memory_space<hbm>> -> memref<1x1x128xi32, #tpu.memory_space<hbm>>
      %dma_start3A_23 = tpu.memref_squeeze %dma_start3A_22 : memref<1x1x128xi32, #tpu.memory_space<hbm>> -> memref<128xi32, #tpu.memory_space<hbm>>
      tpu.enqueue_dma source(%dma_start3A_23 : memref<128xi32, #tpu.memory_space<hbm>>) target(%arg10 : memref<128xi32, #tpu.memory_space<vmem>>) target_semaphore(%run_scoped3A_17 : memref<!tpu.dma_semaphore, #tpu.memory_space<semaphore_mem>>)
      %dma_wait3A = arith.constant 0 : i32
      %dma_wait3A_24 = tpu.memref_slice %arg4[%add3A, %run_scoped3A_7, %dma_wait3A] : memref<32x80x128xi32, #tpu.memory_space<hbm>> -> memref<1x1x128xi32, #tpu.memory_space<hbm>>
      %dma_wait3A_25 = tpu.memref_squeeze %dma_wait3A_24 : memref<1x1x128xi32, #tpu.memory_space<hbm>> -> memref<128xi32, #tpu.memory_space<hbm>>
      %dma_wait3A_26 = arith.constant 0 : i32
      %dma_wait3A_27 = tpu.memref_slice %arg4[%add3A, %run_scoped3A_7, %dma_wait3A_26] : memref<32x80x128xi32, #tpu.memory_space<hbm>> -> memref<1x1x128xi32, #tpu.memory_space<hbm>>
      %dma_wait3A_28 = tpu.memref_squeeze %dma_wait3A_27 : memref<1x1x128xi32, #tpu.memory_space<hbm>> -> memref<128xi32, #tpu.memory_space<hbm>>
      tpu.wait_dma2 semaphore(%run_scoped3A_17 : memref<!tpu.dma_semaphore, #tpu.memory_space<semaphore_mem>>) src(%dma_wait3A_28 : memref<128xi32, #tpu.memory_space<hbm>>) dst(%arg10 : memref<128xi32, #tpu.memory_space<vmem>>)
      tpu.yield
    }) : () -> ()
    %scan3A = arith.constant 0 : i32
    %scan3A_8 = arith.constant 40 : i32
    %scan3A_9 = arith.addi %scan3A, %scan3A_8 : i32
    %scan3A_10 = arith.constant 1 : i32
    scf.for %scan3A_17 = %scan3A to %scan3A_9 step %scan3A_10  : i32 {
      %mul3A_18 = arith.constant 2 : i32
      %mul3A_19 = arith.muli %mul3A_18, %scan3A_17 : i32
      %mul3A_20 = arith.constant 2 : i32
      %mul3A_21 = arith.muli %mul3A_20, %scan3A_17 : i32
      %add3A_22 = arith.constant 1 : i32
      %add3A_23 = arith.addi %mul3A_21, %add3A_22 : i32
      %dma_start3A_24 = arith.constant 0 : i32
      %dma_start3A_25 = arith.constant 0 : i32
      %dma_start3A_26 = tpu.memref_slice %arg2[%dma_start3A_24, %dma_start3A_25] : memref<10240x48xf32, #tpu.memory_space<hbm>> -> memref<10240x48xf32, #tpu.memory_space<hbm>>
      tpu.enqueue_indirect_dma source(%dma_start3A_26 : memref<10240x48xf32, #tpu.memory_space<hbm>>) target(%arg12 : memref<128x48xf32, #tpu.memory_space<vmem>>) offsets(%arg8 : memref<128xi32, #tpu.memory_space<vmem>>) semaphore(%arg15 : memref<!tpu.dma_semaphore, #tpu.memory_space<semaphore_mem>>)
      %dma_wait3A = arith.constant 0 : i32
      %dma_wait3A_27 = arith.constant 0 : i32
      %dma_wait3A_28 = tpu.memref_slice %arg2[%dma_wait3A, %dma_wait3A_27] : memref<10240x48xf32, #tpu.memory_space<hbm>> -> memref<10240x48xf32, #tpu.memory_space<hbm>>
      tpu.wait_indirect_dma semaphore(%arg14 : memref<!tpu.dma_semaphore, #tpu.memory_space<semaphore_mem>>) src(%dma_wait3A_28 : memref<10240x48xf32, #tpu.memory_space<hbm>>) dst(%arg11 : memref<128x48xf32, #tpu.memory_space<vmem>>)
      "tpu.region"() ({
        %run_scoped3A_43 = tpu.sem_alloc : memref<!tpu.dma_semaphore, #tpu.memory_space<semaphore_mem>>
        %dma_start3A_44 = arith.constant 0 : i32
        %dma_start3A_45 = arith.constant 0 : i32
        %dma_start3A_46 = tpu.memref_slice %arg13[%dma_start3A_44, %dma_start3A_45] : memref<10240x48xf32, #tpu.memory_space<vmem_shared>> -> memref<10240x48xf32, #tpu.memory_space<vmem_shared>>
        tpu.enqueue_indirect_dma source(%arg11 : memref<128x48xf32, #tpu.memory_space<vmem>>) target(%dma_start3A_46 : memref<10240x48xf32, #tpu.memory_space<vmem_shared>>) offsets(%arg9 : memref<128xi32, #tpu.memory_space<vmem>>) semaphore(%run_scoped3A_43 : memref<!tpu.dma_semaphore, #tpu.memory_space<semaphore_mem>>) {add = true}
        %dma_wait3A_47 = arith.constant 0 : i32
        %dma_wait3A_48 = arith.constant 0 : i32
        %dma_wait3A_49 = tpu.memref_slice %arg13[%dma_wait3A_47, %dma_wait3A_48] : memref<10240x48xf32, #tpu.memory_space<vmem_shared>> -> memref<10240x48xf32, #tpu.memory_space<vmem_shared>>
        tpu.wait_indirect_dma semaphore(%run_scoped3A_43 : memref<!tpu.dma_semaphore, #tpu.memory_space<semaphore_mem>>) src(%arg11 : memref<128x48xf32, #tpu.memory_space<vmem>>) dst(%dma_wait3A_49 : memref<10240x48xf32, #tpu.memory_space<vmem_shared>>)
        tpu.yield
      }) : () -> ()
      %add3A_29 = arith.constant 2 : i32
      %add3A_30 = arith.addi %mul3A_19, %add3A_29 : i32
      %lt3A = arith.constant 80 : i32
      %lt3A_31 = arith.cmpi slt, %add3A_30, %lt3A : i32
      %convert_element_type3A = arith.extui %lt3A_31 : i1 to i32
      %cond3A = arith.constant 0 : i32
      %cond3A_32 = arith.cmpi ne, %convert_element_type3A, %cond3A : i32
      scf.if %cond3A_32 {
        %add3A_43 = arith.constant 2 : i32
        %add3A_44 = arith.addi %mul3A_19, %add3A_43 : i32
        "tpu.region"() ({
          %run_scoped3A_50 = tpu.sem_alloc : memref<!tpu.dma_semaphore, #tpu.memory_space<semaphore_mem>>
          %dma_start3A_51 = arith.constant 0 : i32
          %dma_start3A_52 = tpu.memref_slice %arg3[%add3A, %add3A_44, %dma_start3A_51] : memref<32x80x128xi32, #tpu.memory_space<hbm>> -> memref<1x1x128xi32, #tpu.memory_space<hbm>>
          %dma_start3A_53 = tpu.memref_squeeze %dma_start3A_52 : memref<1x1x128xi32, #tpu.memory_space<hbm>> -> memref<128xi32, #tpu.memory_space<hbm>>
          %dma_start3A_54 = arith.constant 0 : i32
          %dma_start3A_55 = tpu.memref_slice %arg3[%add3A, %add3A_44, %dma_start3A_54] : memref<32x80x128xi32, #tpu.memory_space<hbm>> -> memref<1x1x128xi32, #tpu.memory_space<hbm>>
          %dma_start3A_56 = tpu.memref_squeeze %dma_start3A_55 : memref<1x1x128xi32, #tpu.memory_space<hbm>> -> memref<128xi32, #tpu.memory_space<hbm>>
          tpu.enqueue_dma source(%dma_start3A_56 : memref<128xi32, #tpu.memory_space<hbm>>) target(%arg7 : memref<128xi32, #tpu.memory_space<vmem>>) target_semaphore(%run_scoped3A_50 : memref<!tpu.dma_semaphore, #tpu.memory_space<semaphore_mem>>)
          %dma_wait3A_57 = arith.constant 0 : i32
          %dma_wait3A_58 = tpu.memref_slice %arg3[%add3A, %add3A_44, %dma_wait3A_57] : memref<32x80x128xi32, #tpu.memory_space<hbm>> -> memref<1x1x128xi32, #tpu.memory_space<hbm>>
          %dma_wait3A_59 = tpu.memref_squeeze %dma_wait3A_58 : memref<1x1x128xi32, #tpu.memory_space<hbm>> -> memref<128xi32, #tpu.memory_space<hbm>>
          %dma_wait3A_60 = arith.constant 0 : i32
          %dma_wait3A_61 = tpu.memref_slice %arg3[%add3A, %add3A_44, %dma_wait3A_60] : memref<32x80x128xi32, #tpu.memory_space<hbm>> -> memref<1x1x128xi32, #tpu.memory_space<hbm>>
          %dma_wait3A_62 = tpu.memref_squeeze %dma_wait3A_61 : memref<1x1x128xi32, #tpu.memory_space<hbm>> -> memref<128xi32, #tpu.memory_space<hbm>>
          tpu.wait_dma2 semaphore(%run_scoped3A_50 : memref<!tpu.dma_semaphore, #tpu.memory_space<semaphore_mem>>) src(%dma_wait3A_62 : memref<128xi32, #tpu.memory_space<hbm>>) dst(%arg7 : memref<128xi32, #tpu.memory_space<vmem>>)
          tpu.yield
        }) : () -> ()
        %add3A_45 = arith.constant 2 : i32
        %add3A_46 = arith.addi %mul3A_19, %add3A_45 : i32
        "tpu.region"() ({
          %run_scoped3A_50 = tpu.sem_alloc : memref<!tpu.dma_semaphore, #tpu.memory_space<semaphore_mem>>
          %dma_start3A_51 = arith.constant 0 : i32
          %dma_start3A_52 = tpu.memref_slice %arg4[%add3A, %add3A_46, %dma_start3A_51] : memref<32x80x128xi32, #tpu.memory_space<hbm>> -> memref<1x1x128xi32, #tpu.memory_space<hbm>>
          %dma_start3A_53 = tpu.memref_squeeze %dma_start3A_52 : memref<1x1x128xi32, #tpu.memory_space<hbm>> -> memref<128xi32, #tpu.memory_space<hbm>>
          %dma_start3A_54 = arith.constant 0 : i32
          %dma_start3A_55 = tpu.memref_slice %arg4[%add3A, %add3A_46, %dma_start3A_54] : memref<32x80x128xi32, #tpu.memory_space<hbm>> -> memref<1x1x128xi32, #tpu.memory_space<hbm>>
          %dma_start3A_56 = tpu.memref_squeeze %dma_start3A_55 : memref<1x1x128xi32, #tpu.memory_space<hbm>> -> memref<128xi32, #tpu.memory_space<hbm>>
          tpu.enqueue_dma source(%dma_start3A_56 : memref<128xi32, #tpu.memory_space<hbm>>) target(%arg9 : memref<128xi32, #tpu.memory_space<vmem>>) target_semaphore(%run_scoped3A_50 : memref<!tpu.dma_semaphore, #tpu.memory_space<semaphore_mem>>)
          %dma_wait3A_57 = arith.constant 0 : i32
          %dma_wait3A_58 = tpu.memref_slice %arg4[%add3A, %add3A_46, %dma_wait3A_57] : memref<32x80x128xi32, #tpu.memory_space<hbm>> -> memref<1x1x128xi32, #tpu.memory_space<hbm>>
          %dma_wait3A_59 = tpu.memref_squeeze %dma_wait3A_58 : memref<1x1x128xi32, #tpu.memory_space<hbm>> -> memref<128xi32, #tpu.memory_space<hbm>>
          %dma_wait3A_60 = arith.constant 0 : i32
          %dma_wait3A_61 = tpu.memref_slice %arg4[%add3A, %add3A_46, %dma_wait3A_60] : memref<32x80x128xi32, #tpu.memory_space<hbm>> -> memref<1x1x128xi32, #tpu.memory_space<hbm>>
          %dma_wait3A_62 = tpu.memref_squeeze %dma_wait3A_61 : memref<1x1x128xi32, #tpu.memory_space<hbm>> -> memref<128xi32, #tpu.memory_space<hbm>>
          tpu.wait_dma2 semaphore(%run_scoped3A_50 : memref<!tpu.dma_semaphore, #tpu.memory_space<semaphore_mem>>) src(%dma_wait3A_62 : memref<128xi32, #tpu.memory_space<hbm>>) dst(%arg9 : memref<128xi32, #tpu.memory_space<vmem>>)
          tpu.yield
        }) : () -> ()
        %dma_start3A_47 = arith.constant 0 : i32
        %dma_start3A_48 = arith.constant 0 : i32
        %dma_start3A_49 = tpu.memref_slice %arg2[%dma_start3A_47, %dma_start3A_48] : memref<10240x48xf32, #tpu.memory_space<hbm>> -> memref<10240x48xf32, #tpu.memory_space<hbm>>
        tpu.enqueue_indirect_dma source(%dma_start3A_49 : memref<10240x48xf32, #tpu.memory_space<hbm>>) target(%arg11 : memref<128x48xf32, #tpu.memory_space<vmem>>) offsets(%arg7 : memref<128xi32, #tpu.memory_space<vmem>>) semaphore(%arg14 : memref<!tpu.dma_semaphore, #tpu.memory_space<semaphore_mem>>)
      } else {
      }
      %dma_wait3A_33 = arith.constant 0 : i32
      %dma_wait3A_34 = arith.constant 0 : i32
      %dma_wait3A_35 = tpu.memref_slice %arg2[%dma_wait3A_33, %dma_wait3A_34] : memref<10240x48xf32, #tpu.memory_space<hbm>> -> memref<10240x48xf32, #tpu.memory_space<hbm>>
      tpu.wait_indirect_dma semaphore(%arg15 : memref<!tpu.dma_semaphore, #tpu.memory_space<semaphore_mem>>) src(%dma_wait3A_35 : memref<10240x48xf32, #tpu.memory_space<hbm>>) dst(%arg12 : memref<128x48xf32, #tpu.memory_space<vmem>>)
      "tpu.region"() ({
        %run_scoped3A_43 = tpu.sem_alloc : memref<!tpu.dma_semaphore, #tpu.memory_space<semaphore_mem>>
        %dma_start3A_44 = arith.constant 0 : i32
        %dma_start3A_45 = arith.constant 0 : i32
        %dma_start3A_46 = tpu.memref_slice %arg13[%dma_start3A_44, %dma_start3A_45] : memref<10240x48xf32, #tpu.memory_space<vmem_shared>> -> memref<10240x48xf32, #tpu.memory_space<vmem_shared>>
        tpu.enqueue_indirect_dma source(%arg12 : memref<128x48xf32, #tpu.memory_space<vmem>>) target(%dma_start3A_46 : memref<10240x48xf32, #tpu.memory_space<vmem_shared>>) offsets(%arg10 : memref<128xi32, #tpu.memory_space<vmem>>) semaphore(%run_scoped3A_43 : memref<!tpu.dma_semaphore, #tpu.memory_space<semaphore_mem>>) {add = true}
        %dma_wait3A_47 = arith.constant 0 : i32
        %dma_wait3A_48 = arith.constant 0 : i32
        %dma_wait3A_49 = tpu.memref_slice %arg13[%dma_wait3A_47, %dma_wait3A_48] : memref<10240x48xf32, #tpu.memory_space<vmem_shared>> -> memref<10240x48xf32, #tpu.memory_space<vmem_shared>>
        tpu.wait_indirect_dma semaphore(%run_scoped3A_43 : memref<!tpu.dma_semaphore, #tpu.memory_space<semaphore_mem>>) src(%arg12 : memref<128x48xf32, #tpu.memory_space<vmem>>) dst(%dma_wait3A_49 : memref<10240x48xf32, #tpu.memory_space<vmem_shared>>)
        tpu.yield
      }) : () -> ()
      %add3A_36 = arith.constant 2 : i32
      %add3A_37 = arith.addi %add3A_23, %add3A_36 : i32
      %lt3A_38 = arith.constant 80 : i32
      %lt3A_39 = arith.cmpi slt, %add3A_37, %lt3A_38 : i32
      %convert_element_type3A_40 = arith.extui %lt3A_39 : i1 to i32
      %cond3A_41 = arith.constant 0 : i32
      %cond3A_42 = arith.cmpi ne, %convert_element_type3A_40, %cond3A_41 : i32
      scf.if %cond3A_42 {
        %add3A_43 = arith.constant 2 : i32
        %add3A_44 = arith.addi %add3A_23, %add3A_43 : i32
        "tpu.region"() ({
          %run_scoped3A_47 = tpu.sem_alloc : memref<!tpu.dma_semaphore, #tpu.memory_space<semaphore_mem>>
          %dma_start3A_48 = arith.constant 0 : i32
          %dma_start3A_49 = tpu.memref_slice %arg3[%add3A, %add3A_44, %dma_start3A_48] : memref<32x80x128xi32, #tpu.memory_space<hbm>> -> memref<1x1x128xi32, #tpu.memory_space<hbm>>
          %dma_start3A_50 = tpu.memref_squeeze %dma_start3A_49 : memref<1x1x128xi32, #tpu.memory_space<hbm>> -> memref<128xi32, #tpu.memory_space<hbm>>
          %dma_start3A_51 = arith.constant 0 : i32
          %dma_start3A_52 = tpu.memref_slice %arg3[%add3A, %add3A_44, %dma_start3A_51] : memref<32x80x128xi32, #tpu.memory_space<hbm>> -> memref<1x1x128xi32, #tpu.memory_space<hbm>>
          %dma_start3A_53 = tpu.memref_squeeze %dma_start3A_52 : memref<1x1x128xi32, #tpu.memory_space<hbm>> -> memref<128xi32, #tpu.memory_space<hbm>>
          tpu.enqueue_dma source(%dma_start3A_53 : memref<128xi32, #tpu.memory_space<hbm>>) target(%arg8 : memref<128xi32, #tpu.memory_space<vmem>>) target_semaphore(%run_scoped3A_47 : memref<!tpu.dma_semaphore, #tpu.memory_space<semaphore_mem>>)
          %dma_wait3A_54 = arith.constant 0 : i32
          %dma_wait3A_55 = tpu.memref_slice %arg3[%add3A, %add3A_44, %dma_wait3A_54] : memref<32x80x128xi32, #tpu.memory_space<hbm>> -> memref<1x1x128xi32, #tpu.memory_space<hbm>>
          %dma_wait3A_56 = tpu.memref_squeeze %dma_wait3A_55 : memref<1x1x128xi32, #tpu.memory_space<hbm>> -> memref<128xi32, #tpu.memory_space<hbm>>
          %dma_wait3A_57 = arith.constant 0 : i32
          %dma_wait3A_58 = tpu.memref_slice %arg3[%add3A, %add3A_44, %dma_wait3A_57] : memref<32x80x128xi32, #tpu.memory_space<hbm>> -> memref<1x1x128xi32, #tpu.memory_space<hbm>>
          %dma_wait3A_59 = tpu.memref_squeeze %dma_wait3A_58 : memref<1x1x128xi32, #tpu.memory_space<hbm>> -> memref<128xi32, #tpu.memory_space<hbm>>
          tpu.wait_dma2 semaphore(%run_scoped3A_47 : memref<!tpu.dma_semaphore, #tpu.memory_space<semaphore_mem>>) src(%dma_wait3A_59 : memref<128xi32, #tpu.memory_space<hbm>>) dst(%arg8 : memref<128xi32, #tpu.memory_space<vmem>>)
          tpu.yield
        }) : () -> ()
        %add3A_45 = arith.constant 2 : i32
        %add3A_46 = arith.addi %add3A_23, %add3A_45 : i32
        "tpu.region"() ({
          %run_scoped3A_47 = tpu.sem_alloc : memref<!tpu.dma_semaphore, #tpu.memory_space<semaphore_mem>>
          %dma_start3A_48 = arith.constant 0 : i32
          %dma_start3A_49 = tpu.memref_slice %arg4[%add3A, %add3A_46, %dma_start3A_48] : memref<32x80x128xi32, #tpu.memory_space<hbm>> -> memref<1x1x128xi32, #tpu.memory_space<hbm>>
          %dma_start3A_50 = tpu.memref_squeeze %dma_start3A_49 : memref<1x1x128xi32, #tpu.memory_space<hbm>> -> memref<128xi32, #tpu.memory_space<hbm>>
          %dma_start3A_51 = arith.constant 0 : i32
          %dma_start3A_52 = tpu.memref_slice %arg4[%add3A, %add3A_46, %dma_start3A_51] : memref<32x80x128xi32, #tpu.memory_space<hbm>> -> memref<1x1x128xi32, #tpu.memory_space<hbm>>
          %dma_start3A_53 = tpu.memref_squeeze %dma_start3A_52 : memref<1x1x128xi32, #tpu.memory_space<hbm>> -> memref<128xi32, #tpu.memory_space<hbm>>
          tpu.enqueue_dma source(%dma_start3A_53 : memref<128xi32, #tpu.memory_space<hbm>>) target(%arg10 : memref<128xi32, #tpu.memory_space<vmem>>) target_semaphore(%run_scoped3A_47 : memref<!tpu.dma_semaphore, #tpu.memory_space<semaphore_mem>>)
          %dma_wait3A_54 = arith.constant 0 : i32
          %dma_wait3A_55 = tpu.memref_slice %arg4[%add3A, %add3A_46, %dma_wait3A_54] : memref<32x80x128xi32, #tpu.memory_space<hbm>> -> memref<1x1x128xi32, #tpu.memory_space<hbm>>
          %dma_wait3A_56 = tpu.memref_squeeze %dma_wait3A_55 : memref<1x1x128xi32, #tpu.memory_space<hbm>> -> memref<128xi32, #tpu.memory_space<hbm>>
          %dma_wait3A_57 = arith.constant 0 : i32
          %dma_wait3A_58 = tpu.memref_slice %arg4[%add3A, %add3A_46, %dma_wait3A_57] : memref<32x80x128xi32, #tpu.memory_space<hbm>> -> memref<1x1x128xi32, #tpu.memory_space<hbm>>
          %dma_wait3A_59 = tpu.memref_squeeze %dma_wait3A_58 : memref<1x1x128xi32, #tpu.memory_space<hbm>> -> memref<128xi32, #tpu.memory_space<hbm>>
          tpu.wait_dma2 semaphore(%run_scoped3A_47 : memref<!tpu.dma_semaphore, #tpu.memory_space<semaphore_mem>>) src(%dma_wait3A_59 : memref<128xi32, #tpu.memory_space<hbm>>) dst(%arg10 : memref<128xi32, #tpu.memory_space<vmem>>)
          tpu.yield
        }) : () -> ()
      } else {
      }
    }
    %scan3A_11 = arith.constant 40 : i32
    %barrier3A_12 = arith.constant 0 : index
    tpu.barrier barrier_id(%barrier3A_12)
    %mul3A_13 = arith.constant 640 : i32
    %mul3A_14 = arith.muli %arg1, %mul3A_13 : i32
    %mul3A_15 = arith.constant 640 : i32
    %mul3A_16 = arith.muli %arg1, %mul3A_15 : i32
    "tpu.region"() ({
      %run_scoped3A_17 = tpu.sem_alloc : memref<!tpu.dma_semaphore, #tpu.memory_space<semaphore_mem>>
      %dma_start3A_18 = arith.constant 0 : i32
      %dma_start3A_19 = tpu.memref_slice %arg6[%arg0, %mul3A_16, %dma_start3A_18] : memref<2x10240x48xf32, #tpu.memory_space<hbm>> -> memref<1x640x48xf32, #tpu.memory_space<hbm>>
      %dma_start3A_20 = tpu.memref_squeeze %dma_start3A_19 : memref<1x640x48xf32, #tpu.memory_space<hbm>> -> memref<640x48xf32, #tpu.memory_space<hbm>>
      %dma_start3A_21 = arith.constant 0 : i32
      %dma_start3A_22 = tpu.memref_slice %arg13[%mul3A_14, %dma_start3A_21] : memref<10240x48xf32, #tpu.memory_space<vmem_shared>> -> memref<640x48xf32, #tpu.memory_space<vmem_shared>>
      tpu.enqueue_dma source(%dma_start3A_22 : memref<640x48xf32, #tpu.memory_space<vmem_shared>>) target(%dma_start3A_20 : memref<640x48xf32, #tpu.memory_space<hbm>>) target_semaphore(%run_scoped3A_17 : memref<!tpu.dma_semaphore, #tpu.memory_space<semaphore_mem>>)
      %dma_wait3A = arith.constant 0 : i32
      %dma_wait3A_23 = tpu.memref_slice %arg6[%arg0, %mul3A_16, %dma_wait3A] : memref<2x10240x48xf32, #tpu.memory_space<hbm>> -> memref<1x640x48xf32, #tpu.memory_space<hbm>>
      %dma_wait3A_24 = tpu.memref_squeeze %dma_wait3A_23 : memref<1x640x48xf32, #tpu.memory_space<hbm>> -> memref<640x48xf32, #tpu.memory_space<hbm>>
      %dma_wait3A_25 = arith.constant 0 : i32
      %dma_wait3A_26 = tpu.memref_slice %arg13[%mul3A_14, %dma_wait3A_25] : memref<10240x48xf32, #tpu.memory_space<vmem_shared>> -> memref<640x48xf32, #tpu.memory_space<vmem_shared>>
      tpu.wait_dma2 semaphore(%run_scoped3A_17 : memref<!tpu.dma_semaphore, #tpu.memory_space<semaphore_mem>>) src(%dma_wait3A_26 : memref<640x48xf32, #tpu.memory_space<vmem_shared>>) dst(%dma_wait3A_24 : memref<640x48xf32, #tpu.memory_space<hbm>>)
      tpu.yield
    }) : () -> ()
    return
  }
}

module attributes {stable_mosaic.version = 14 : i64} {
  func.func @_mm1_body(%arg0: i32, %arg1: memref<512x128xf32, #tpu.memory_space<vmem>>, %arg2: memref<128x128xf32, #tpu.memory_space<vmem>>, %arg3: memref<2x512x128xf32, #tpu.memory_space<vmem>>, %arg4: memref<512x128xf32, #tpu.memory_space<vmem>>) attributes {dimension_semantics = [#tpu.dimension_semantics<arbitrary>], iteration_bounds = array<i64: 20>, scalar_prefetch = 0 : i64, scratch_operands = 0 : i64, tpu.core_type = #tpu.core_type<tc>, window_params = [{transform_indices = @transform_0, window_bounds = array<i64: 512, 128>}, {pipeline_mode = #tpu.pipeline_mode<synchronous>, transform_indices = @transform_1, window_bounds = array<i64: 128, 128>}, {transform_indices = @transform_2, window_bounds = array<i64: 2, 512, 128>}, {transform_indices = @transform_3, window_bounds = array<i64: 512, 128>}]} {
    %get3A = arith.constant 0 : index
    %get3A_0 = arith.constant 0 : index
    %get3A_1 = arith.constant 0 : index
    %get3A_2 = vector.load %arg3[%get3A, %get3A_0, %get3A_1] : memref<2x512x128xf32, #tpu.memory_space<vmem>>, vector<2x512x128xf32>
    %slice3A = vector.extract_strided_slice %get3A_2 {offsets = [0, 0, 0], sizes = [1, 512, 128], strides = [1, 1, 1]} : vector<2x512x128xf32> to vector<1x512x128xf32>
    %squeeze3A = vector.shape_cast %slice3A : vector<1x512x128xf32> to vector<512x128xf32>
    %add3A = arith.constant 1.000000e+00 : f32
    %add3A_3 = vector.broadcast %add3A : f32 to vector<512x128xf32>
    %add3A_4 = arith.addf %add3A_3, %squeeze3A : vector<512x128xf32>
    %slice3A_5 = vector.extract_strided_slice %get3A_2 {offsets = [1, 0, 0], sizes = [1, 512, 128], strides = [1, 1, 1]} : vector<2x512x128xf32> to vector<1x512x128xf32>
    %squeeze3A_6 = vector.shape_cast %slice3A_5 : vector<1x512x128xf32> to vector<512x128xf32>
    %add3A_7 = arith.addf %add3A_4, %squeeze3A_6 : vector<512x128xf32>
    %rsqrt3A = math.rsqrt %add3A_7 : vector<512x128xf32>
    %slice3A_8 = vector.extract_strided_slice %rsqrt3A {offsets = [0, 0], sizes = [512, 1], strides = [1, 1]} : vector<512x128xf32> to vector<512x1xf32>
    %get3A_9 = arith.constant 0 : index
    %get3A_10 = arith.constant 0 : index
    %get3A_11 = vector.load %arg1[%get3A_9, %get3A_10] : memref<512x128xf32, #tpu.memory_space<vmem>>, vector<512x128xf32>
    %get3A_12 = arith.constant 0 : index
    %get3A_13 = arith.constant 0 : index
    %get3A_14 = vector.load %arg2[%get3A_12, %get3A_13] : memref<128x128xf32, #tpu.memory_space<vmem>>, vector<128x128xf32>
    %dot_general3A = arith.constant dense<0.000000e+00> : vector<512x128xf32>
    %dot_general3A_15 = tpu.matmul %get3A_11, %get3A_14, %dot_general3A {dimension_numbers = #tpu.dot_dimension_numbers<[1], [0], [0], [1], [0, 0, 1, 1], [], []>, transpose_lhs_hint = false} : vector<512x128xf32>, vector<128x128xf32>, vector<512x128xf32> -> vector<512x128xf32>
    %mul3A = vector.broadcast %slice3A_8 : vector<512x1xf32> to vector<512x128xf32>
    %mul3A_16 = arith.mulf %dot_general3A_15, %mul3A : vector<512x128xf32>
    %swap3A = arith.constant 0 : index
    %swap3A_17 = arith.constant 0 : index
    %swap3A_18 = vector.load %arg4[%swap3A, %swap3A_17] : memref<512x128xf32, #tpu.memory_space<vmem>>, vector<512x128xf32>
    tpu.vector_store %arg4[%swap3A, %swap3A_17], %mul3A_16 {strides = array<i32>} : memref<512x128xf32, #tpu.memory_space<vmem>>, vector<512x128xf32>,
    return
  }
  func.func @transform_0(%arg0: i32) -> (i32, i32) {
    %c0_i32 = arith.constant 0 : i32
    %c0_i32_0 = arith.constant 0 : i32
    return %arg0, %c0_i32 : i32, i32
  }
  func.func @transform_1(%arg0: i32) -> (i32, i32) {
    %c0_i32 = arith.constant 0 : i32
    %c0_i32_0 = arith.constant 0 : i32
    %c0_i32_1 = arith.constant 0 : i32
    return %c0_i32, %c0_i32_0 : i32, i32
  }
  func.func @transform_2(%arg0: i32) -> (i32, i32, i32) {
    %c0_i32 = arith.constant 0 : i32
    %c0_i32_0 = arith.constant 0 : i32
    %c0_i32_1 = arith.constant 0 : i32
    return %c0_i32, %arg0, %c0_i32_0 : i32, i32, i32
  }
  func.func @transform_3(%arg0: i32) -> (i32, i32) {
    %c0_i32 = arith.constant 0 : i32
    %c0_i32_0 = arith.constant 0 : i32
    return %arg0, %c0_i32 : i32, i32
  }
}

module attributes {stable_mosaic.version = 14 : i64} {
  func.func @_mid_body(%arg0: i32, %arg1: memref<2x512x128xf32, #tpu.memory_space<vmem>>, %arg2: memref<512x128xf32, #tpu.memory_space<vmem>>, %arg3: memref<2x512x128xf32, #tpu.memory_space<vmem>>, %arg4: memref<1x128xf32, #tpu.memory_space<vmem>>, %arg5: memref<128x48xf32, #tpu.memory_space<vmem>>, %arg6: memref<512x48xf32, #tpu.memory_space<vmem>>) attributes {dimension_semantics = [#tpu.dimension_semantics<arbitrary>], iteration_bounds = array<i64: 20>, scalar_prefetch = 0 : i64, scratch_operands = 0 : i64, tpu.core_type = #tpu.core_type<tc>, window_params = [{transform_indices = @transform_0, window_bounds = array<i64: 2, 512, 128>}, {transform_indices = @transform_1, window_bounds = array<i64: 512, 128>}, {transform_indices = @transform_2, window_bounds = array<i64: 2, 512, 128>}, {pipeline_mode = #tpu.pipeline_mode<synchronous>, transform_indices = @transform_3, window_bounds = array<i64: 1, 128>}, {pipeline_mode = #tpu.pipeline_mode<synchronous>, transform_indices = @transform_4, window_bounds = array<i64: 128, 48>}, {transform_indices = @transform_5, window_bounds = array<i64: 512, 48>}]} {
    %get3A = arith.constant 0 : index
    %get3A_0 = arith.constant 0 : index
    %get3A_1 = arith.constant 0 : index
    %get3A_2 = vector.load %arg1[%get3A, %get3A_0, %get3A_1] : memref<2x512x128xf32, #tpu.memory_space<vmem>>, vector<2x512x128xf32>
    %get3A_3 = arith.constant 0 : index
    %get3A_4 = arith.constant 0 : index
    %get3A_5 = arith.constant 0 : index
    %get3A_6 = vector.load %arg3[%get3A_3, %get3A_4, %get3A_5] : memref<2x512x128xf32, #tpu.memory_space<vmem>>, vector<2x512x128xf32>
    %slice3A = vector.extract_strided_slice %get3A_6 {offsets = [0, 0, 0], sizes = [1, 512, 128], strides = [1, 1, 1]} : vector<2x512x128xf32> to vector<1x512x128xf32>
    %squeeze3A = vector.shape_cast %slice3A : vector<1x512x128xf32> to vector<512x128xf32>
    %add3A = arith.constant 1.000000e+00 : f32
    %add3A_7 = vector.broadcast %add3A : f32 to vector<512x128xf32>
    %add3A_8 = arith.addf %add3A_7, %squeeze3A : vector<512x128xf32>
    %slice3A_9 = vector.extract_strided_slice %get3A_6 {offsets = [1, 0, 0], sizes = [1, 512, 128], strides = [1, 1, 1]} : vector<2x512x128xf32> to vector<1x512x128xf32>
    %squeeze3A_10 = vector.shape_cast %slice3A_9 : vector<1x512x128xf32> to vector<512x128xf32>
    %add3A_11 = arith.addf %add3A_8, %squeeze3A_10 : vector<512x128xf32>
    %rsqrt3A = math.rsqrt %add3A_11 : vector<512x128xf32>
    %slice3A_12 = vector.extract_strided_slice %rsqrt3A {offsets = [0, 0], sizes = [512, 1], strides = [1, 1]} : vector<512x128xf32> to vector<512x1xf32>
    %slice3A_13 = vector.extract_strided_slice %get3A_2 {offsets = [0, 0, 0], sizes = [1, 512, 128], strides = [1, 1, 1]} : vector<2x512x128xf32> to vector<1x512x128xf32>
    %squeeze3A_14 = vector.shape_cast %slice3A_13 : vector<1x512x128xf32> to vector<512x128xf32>
    %slice3A_15 = vector.extract_strided_slice %get3A_2 {offsets = [1, 0, 0], sizes = [1, 512, 128], strides = [1, 1, 1]} : vector<2x512x128xf32> to vector<1x512x128xf32>
    %squeeze3A_16 = vector.shape_cast %slice3A_15 : vector<1x512x128xf32> to vector<512x128xf32>
    %add3A_17 = arith.addf %squeeze3A_14, %squeeze3A_16 : vector<512x128xf32>
    %get3A_18 = arith.constant 0 : index
    %get3A_19 = arith.constant 0 : index
    %get3A_20 = vector.load %arg2[%get3A_18, %get3A_19] : memref<512x128xf32, #tpu.memory_space<vmem>>, vector<512x128xf32>
    %add3A_21 = arith.addf %add3A_17, %get3A_20 : vector<512x128xf32>
    %mul3A = vector.broadcast %slice3A_12 : vector<512x1xf32> to vector<512x128xf32>
    %mul3A_22 = arith.mulf %mul3A, %add3A_21 : vector<512x128xf32>
    %get3A_23 = arith.constant 0 : index
    %get3A_24 = arith.constant 0 : index
    %get3A_25 = vector.load %arg4[%get3A_23, %get3A_24] : memref<1x128xf32, #tpu.memory_space<vmem>>, vector<1x128xf32>
    %add3A_26 = vector.broadcast %get3A_25 : vector<1x128xf32> to vector<512x128xf32>
    %add3A_27 = arith.addf %mul3A_22, %add3A_26 : vector<512x128xf32>
    %max3A = arith.constant 0.000000e+00 : f32
    %max3A_28 = vector.broadcast %max3A : f32 to vector<512x128xf32>
    %max3A_29 = arith.maximumf %add3A_27, %max3A_28 : vector<512x128xf32>
    %get3A_30 = arith.constant 0 : index
    %get3A_31 = arith.constant 0 : index
    %get3A_32 = vector.load %arg5[%get3A_30, %get3A_31] : memref<128x48xf32, #tpu.memory_space<vmem>>, vector<128x48xf32>
    %dot_general3A = arith.constant dense<0.000000e+00> : vector<512x48xf32>
    %dot_general3A_33 = tpu.matmul %max3A_29, %get3A_32, %dot_general3A {dimension_numbers = #tpu.dot_dimension_numbers<[1], [0], [0], [1], [0, 0, 1, 1], [], []>, transpose_lhs_hint = false} : vector<512x128xf32>, vector<128x48xf32>, vector<512x48xf32> -> vector<512x48xf32>
    %mul3A_34 = vector.broadcast %slice3A_12 : vector<512x1xf32> to vector<512x48xf32>
    %mul3A_35 = arith.mulf %dot_general3A_33, %mul3A_34 : vector<512x48xf32>
    %swap3A = arith.constant 0 : index
    %swap3A_36 = arith.constant 0 : index
    %swap3A_37 = vector.load %arg6[%swap3A, %swap3A_36] : memref<512x48xf32, #tpu.memory_space<vmem>>, vector<512x48xf32>
    tpu.vector_store %arg6[%swap3A, %swap3A_36], %mul3A_35 {strides = array<i32>} : memref<512x48xf32, #tpu.memory_space<vmem>>, vector<512x48xf32>,
    return
  }
  func.func @transform_0(%arg0: i32) -> (i32, i32, i32) {
    %c0_i32 = arith.constant 0 : i32
    %c0_i32_0 = arith.constant 0 : i32
    %c0_i32_1 = arith.constant 0 : i32
    return %c0_i32, %arg0, %c0_i32_0 : i32, i32, i32
  }
  func.func @transform_1(%arg0: i32) -> (i32, i32) {
    %c0_i32 = arith.constant 0 : i32
    %c0_i32_0 = arith.constant 0 : i32
    return %arg0, %c0_i32 : i32, i32
  }
  func.func @transform_2(%arg0: i32) -> (i32, i32, i32) {
    %c0_i32 = arith.constant 0 : i32
    %c0_i32_0 = arith.constant 0 : i32
    %c0_i32_1 = arith.constant 0 : i32
    return %c0_i32, %arg0, %c0_i32_0 : i32, i32, i32
  }
  func.func @transform_3(%arg0: i32) -> (i32, i32) {
    %c0_i32 = arith.constant 0 : i32
    %c0_i32_0 = arith.constant 0 : i32
    %c0_i32_1 = arith.constant 0 : i32
    return %c0_i32, %c0_i32_0 : i32, i32
  }
  func.func @transform_4(%arg0: i32) -> (i32, i32) {
    %c0_i32 = arith.constant 0 : i32
    %c0_i32_0 = arith.constant 0 : i32
    %c0_i32_1 = arith.constant 0 : i32
    return %c0_i32, %c0_i32_0 : i32, i32
  }
  func.func @transform_5(%arg0: i32) -> (i32, i32) {
    %c0_i32 = arith.constant 0 : i32
    %c0_i32_0 = arith.constant 0 : i32
    return %arg0, %c0_i32 : i32, i32
  }
}

module attributes {stable_mosaic.version = 14 : i64} {
  func.func @_out_body(%arg0: i32, %arg1: memref<2x512x48xf32, #tpu.memory_space<vmem>>, %arg2: memref<512x48xf32, #tpu.memory_space<vmem>>, %arg3: memref<2x512x128xf32, #tpu.memory_space<vmem>>, %arg4: memref<1x48xf32, #tpu.memory_space<vmem>>, %arg5: memref<512x48xf32, #tpu.memory_space<vmem>>) attributes {dimension_semantics = [#tpu.dimension_semantics<arbitrary>], iteration_bounds = array<i64: 20>, scalar_prefetch = 0 : i64, scratch_operands = 0 : i64, tpu.core_type = #tpu.core_type<tc>, window_params = [{transform_indices = @transform_0, window_bounds = array<i64: 2, 512, 48>}, {transform_indices = @transform_1, window_bounds = array<i64: 512, 48>}, {transform_indices = @transform_2, window_bounds = array<i64: 2, 512, 128>}, {pipeline_mode = #tpu.pipeline_mode<synchronous>, transform_indices = @transform_3, window_bounds = array<i64: 1, 48>}, {transform_indices = @transform_4, window_bounds = array<i64: 512, 48>}]} {
    %get3A = arith.constant 0 : index
    %get3A_0 = arith.constant 0 : index
    %get3A_1 = arith.constant 0 : index
    %get3A_2 = vector.load %arg1[%get3A, %get3A_0, %get3A_1] : memref<2x512x48xf32, #tpu.memory_space<vmem>>, vector<2x512x48xf32>
    %get3A_3 = arith.constant 0 : index
    %get3A_4 = arith.constant 0 : index
    %get3A_5 = arith.constant 0 : index
    %get3A_6 = vector.load %arg3[%get3A_3, %get3A_4, %get3A_5] : memref<2x512x128xf32, #tpu.memory_space<vmem>>, vector<2x512x128xf32>
    %slice3A = vector.extract_strided_slice %get3A_6 {offsets = [0, 0, 0], sizes = [1, 512, 128], strides = [1, 1, 1]} : vector<2x512x128xf32> to vector<1x512x128xf32>
    %squeeze3A = vector.shape_cast %slice3A : vector<1x512x128xf32> to vector<512x128xf32>
    %add3A = arith.constant 1.000000e+00 : f32
    %add3A_7 = vector.broadcast %add3A : f32 to vector<512x128xf32>
    %add3A_8 = arith.addf %add3A_7, %squeeze3A : vector<512x128xf32>
    %slice3A_9 = vector.extract_strided_slice %get3A_6 {offsets = [1, 0, 0], sizes = [1, 512, 128], strides = [1, 1, 1]} : vector<2x512x128xf32> to vector<1x512x128xf32>
    %squeeze3A_10 = vector.shape_cast %slice3A_9 : vector<1x512x128xf32> to vector<512x128xf32>
    %add3A_11 = arith.addf %add3A_8, %squeeze3A_10 : vector<512x128xf32>
    %rsqrt3A = math.rsqrt %add3A_11 : vector<512x128xf32>
    %slice3A_12 = vector.extract_strided_slice %rsqrt3A {offsets = [0, 0], sizes = [512, 1], strides = [1, 1]} : vector<512x128xf32> to vector<512x1xf32>
    %slice3A_13 = vector.extract_strided_slice %get3A_2 {offsets = [0, 0, 0], sizes = [1, 512, 48], strides = [1, 1, 1]} : vector<2x512x48xf32> to vector<1x512x48xf32>
    %squeeze3A_14 = vector.shape_cast %slice3A_13 : vector<1x512x48xf32> to vector<512x48xf32>
    %slice3A_15 = vector.extract_strided_slice %get3A_2 {offsets = [1, 0, 0], sizes = [1, 512, 48], strides = [1, 1, 1]} : vector<2x512x48xf32> to vector<1x512x48xf32>
    %squeeze3A_16 = vector.shape_cast %slice3A_15 : vector<1x512x48xf32> to vector<512x48xf32>
    %add3A_17 = arith.addf %squeeze3A_14, %squeeze3A_16 : vector<512x48xf32>
    %get3A_18 = arith.constant 0 : index
    %get3A_19 = arith.constant 0 : index
    %get3A_20 = vector.load %arg2[%get3A_18, %get3A_19] : memref<512x48xf32, #tpu.memory_space<vmem>>, vector<512x48xf32>
    %add3A_21 = arith.addf %add3A_17, %get3A_20 : vector<512x48xf32>
    %mul3A = vector.broadcast %slice3A_12 : vector<512x1xf32> to vector<512x48xf32>
    %mul3A_22 = arith.mulf %mul3A, %add3A_21 : vector<512x48xf32>
    %get3A_23 = arith.constant 0 : index
    %get3A_24 = arith.constant 0 : index
    %get3A_25 = vector.load %arg4[%get3A_23, %get3A_24] : memref<1x48xf32, #tpu.memory_space<vmem>>, vector<1x48xf32>
    %add3A_26 = vector.broadcast %get3A_25 : vector<1x48xf32> to vector<512x48xf32>
    %add3A_27 = arith.addf %mul3A_22, %add3A_26 : vector<512x48xf32>
    %iota3A = tpu.iota {dimensions = array<i32: 1>} : vector<512x48xi32>
    %lt3A = arith.constant 40 : i32
    %lt3A_28 = vector.broadcast %lt3A : i32 to vector<512x48xi32>
    %lt3A_29 = arith.cmpi slt, %iota3A, %lt3A_28 : vector<512x48xi32>
    %jit3A = arith.constant 0xFF800000 : f32
    %broadcast_in_dim3A = vector.broadcast %jit3A : f32 to vector<512x48xf32>
    %select_n3A = arith.select %lt3A_29, %add3A_27, %broadcast_in_dim3A : vector<512x48xi1>, vector<512x48xf32>
    %reduce_max3A = arith.constant dense<0xFF800000> : vector<512xf32>
    %reduce_max3A_30 = vector.multi_reduction <maximumf>, %select_n3A, %reduce_max3A [1] : vector<512x48xf32> to vector<512xf32>
    %broadcast_in_dim3A_31 = vector.shape_cast %reduce_max3A_30 : vector<512xf32> to vector<512x1xf32>
    %sub3A = vector.broadcast %broadcast_in_dim3A_31 : vector<512x1xf32> to vector<512x48xf32>
    %sub3A_32 = arith.subf %add3A_27, %sub3A : vector<512x48xf32>
    %exp3A = math.exp %sub3A_32 : vector<512x48xf32>
    %jit3A_33 = arith.constant 0.000000e+00 : f32
    %broadcast_in_dim3A_34 = vector.broadcast %jit3A_33 : f32 to vector<512x48xf32>
    %select_n3A_35 = arith.select %lt3A_29, %exp3A, %broadcast_in_dim3A_34 : vector<512x48xi1>, vector<512x48xf32>
    %reduce_sum3A = arith.constant dense<0.000000e+00> : vector<512xf32>
    %reduce_sum3A_36 = vector.multi_reduction <add>, %select_n3A_35, %reduce_sum3A [1] : vector<512x48xf32> to vector<512xf32>
    %broadcast_in_dim3A_37 = vector.shape_cast %reduce_sum3A_36 : vector<512xf32> to vector<512x1xf32>
    %sub3A_38 = vector.broadcast %broadcast_in_dim3A_31 : vector<512x1xf32> to vector<512x48xf32>
    %sub3A_39 = arith.subf %add3A_27, %sub3A_38 : vector<512x48xf32>
    %log3A = math.log %broadcast_in_dim3A_37 : vector<512x1xf32>
    %sub3A_40 = vector.broadcast %log3A : vector<512x1xf32> to vector<512x48xf32>
    %sub3A_41 = arith.subf %sub3A_39, %sub3A_40 : vector<512x48xf32>
    %swap3A = arith.constant 0 : index
    %swap3A_42 = arith.constant 0 : index
    %swap3A_43 = vector.load %arg5[%swap3A, %swap3A_42] : memref<512x48xf32, #tpu.memory_space<vmem>>, vector<512x48xf32>
    tpu.vector_store %arg5[%swap3A, %swap3A_42], %sub3A_41 {strides = array<i32>} : memref<512x48xf32, #tpu.memory_space<vmem>>, vector<512x48xf32>,
    return
  }
  func.func @transform_0(%arg0: i32) -> (i32, i32, i32) {
    %c0_i32 = arith.constant 0 : i32
    %c0_i32_0 = arith.constant 0 : i32
    %c0_i32_1 = arith.constant 0 : i32
    return %c0_i32, %arg0, %c0_i32_0 : i32, i32, i32
  }
  func.func @transform_1(%arg0: i32) -> (i32, i32) {
    %c0_i32 = arith.constant 0 : i32
    %c0_i32_0 = arith.constant 0 : i32
    return %arg0, %c0_i32 : i32, i32
  }
  func.func @transform_2(%arg0: i32) -> (i32, i32, i32) {
    %c0_i32 = arith.constant 0 : i32
    %c0_i32_0 = arith.constant 0 : i32
    %c0_i32_1 = arith.constant 0 : i32
    return %c0_i32, %arg0, %c0_i32_0 : i32, i32, i32
  }
  func.func @transform_3(%arg0: i32) -> (i32, i32) {
    %c0_i32 = arith.constant 0 : i32
    %c0_i32_0 = arith.constant 0 : i32
    %c0_i32_1 = arith.constant 0 : i32
    return %c0_i32, %c0_i32_0 : i32, i32
  }
  func.func @transform_4(%arg0: i32) -> (i32, i32) {
    %c0_i32 = arith.constant 0 : i32
    %c0_i32_0 = arith.constant 0 : i32
    return %arg0, %c0_i32 : i32, i32
  }
}

</mosaic_0001>

<sc_bundles>
// kernel: kernel.11.cloned.1.call-start
scs
__scs_entry_jumppad:
0x0: {  	(pc) =	sbr.rel $0x88, $3  }
0x1: {  	(tag) =	ssettag $0x0;
	lr =	simm.s32 $0x1  }
0x2: {  	[smem:$0x3F9B] =	sst lr;
	_ =	strace $0xD0000000  }
0x3: {  	_ = 	snop  }
0x4: {  	_ = 	snop  }
0x5: {  	_ = 	snop  }
0x6: {  	_ = 	snop  }
0x7: {  	_ = 	snop  }
__scs_overlays_trampoline_lowered:
0x8: {  	[smem:$0x3FAA] =	sst s0  }
0x9: {  	[smem:$0x3FAB] =	sst s1  }
0xa: {  	[smem:$0x3FAC] =	sst s2  }
0xb: {  	[smem:$0x3FAD] =	sst s3  }
0xc: {  	[smem:$0x3FAE] =	sst s4  }
0xd: {  	[smem:$0x3FAF] =	sst s5  }
0xe: {  	[smem:$0x3FB0] =	sst s6  }
0xf: {  	[smem:$0x3FB1] =	sst s7  }
0x10: {  	[smem:$0x3FB2] =	sst s8  }
0x11: {  	[smem:$0x3FB3] =	sst s9;
	s0 =	simm.s32 @!p0 $0x0  }
0x12: {  	s1 =	sld [smem:$0x3F99];
	s0 =	simm.s32 @p0 $0x1  }
0x13: {  	[smem:$0x3FB4] =	sst s0;
	s0 =	simm.s32 @!p1 $0x0  }
0x14: {  	s2 =	sld [smem:$0x3F98];
	s0 =	simm.s32 @p1 $0x1  }
0x15: {  	[smem:$0x3FB5] =	sst s0;
	s0 =	simm.s32 @!p2 $0x0  }
0x16: {  	s3 =	sld [smem:$0x3FDB];
	s0 =	simm.s32 @p2 $0x1  }
0x17: {  	s4 =	simm.s32 $0x1BF5;
	[smem:$0x3FB7] =	sst s0  }
0x18: {  	s0 =	sld [smem:$0x3F9A];
	_ =	swait.ge [sflag:s4], $0x0  }
0x19: {  	s7 =	sld [smem:$0x3F9B]  }
0x1a: {  	s8 =	sadd.s32 $0xFFFFE003, lr  }
0x1b: {  	s9 =	sadd.s32 $0xFFFFFEF7, lr;
	s5 =	simm.s32 $0xFFFFFFFF;
	p2 =	slt.u32 s8, $0xFFFFF086  }
0x1c: {  	p1 =	slt.u32 s9, $0xF7A;
	s5 =	simm.s32 @!p2 $0x0  }
0x1d: {  	s5 =	simm.s32 @p1 $0x1;
	p0 =	seq.s32 s7, s2  }
0x1e: {  	s7 =	smul.u32 @!p0 $0xF7A, s2;
	p2 =	seq.s32 @!p0 s5, $0x0  }
0x1f: {  	s9 =	smul.u32 $0xF7A, s1;
	s8 =	simm.s32 @!p0 $0x1BF5;
	p2 =	por !p2, p0  }
0x20: {  	[sflag:s8] =	ssyncset.s32 @!p0 $0xFFFFF086;
	s6 =	sadd.s32 @!p0 s3, s7;
	s7 =	simm.s32 @!p0 $0x108  }
0x21: {  	s3 =	sadd.s32 s3, s9;
	s6 =	sadd.s32 @!p0 $0x88, s6;
	s7 =	simm.s32 @p2 $0x1082  }
0x22: {  	[simem:s7], [sflag:s8] =	dma.local @!p0 [hbm:s6], $0xF7A  }
0x23: {  	s9 =	sor.u32 $0xD0000000, s2;
	s6 =	simm.s32 $0x108;
	_ =	swait.ge @!p0 [sflag:s8], $0x0  }
0x24: {  	s3 =	sadd.s32 $0x88, s3;
	s6 =	simm.s32 @!p1 $0x1082;
	[sflag:s4] =	ssyncset.s32 $0xFFFFF086  }
0x25: {  	[simem:s6], [sflag:s4] =	dma.local [hbm:s3], $0xF7A  }
0x26: {  	[smem:$0x3F9B] =	sst s1;
	(tag) =	ssettag s2;
	_ =	strace s9  }
0x27: {  	s1 =	sld [smem:$0x3FAB]  }
0x28: {  	s2 =	sld [smem:$0x3FAC]  }
0x29: {  	s4 =	sld [smem:$0x3FAE]  }
0x2a: {  	p0 =	seq.s32 s5, $0x0;
	s5 =	sld [smem:$0x3FAF]  }
0x2b: {  	s6 =	sld [smem:$0x3FB0]  }
0x2c: {  	s7 =	sld [smem:$0x3FB1]  }
0x2d: {  	s3 =	simm.s32 $0x108;
	s8 =	sld [smem:$0x3FB2]  }
0x2e: {  	s3 =	simm.s32 @!p0 $0x1082;
	s9 =	sld [smem:$0x3FB3]  }
0x2f: {  	lr =	sadd.s32 s0, s3;
	s0 =	sld [smem:$0x3FAA]  }
0x30: {  	s3 =	sld [smem:$0x3FAD]  }
0x31: {  	[smem:$0x3FB6] =	sst s10  }
0x32: {  	s10 =	sld [smem:$0x3FB4];
	_ =	sdelay $0x3  }
0x33: {  	p0 =	seq.s32 s10, $0x1;
	s10 =	sld [smem:$0x3FB6];
	_ =	sdelay $0x3  }
0x34: {  	[smem:$0x3FB6] =	sst s10  }
0x35: {  	s10 =	sld [smem:$0x3FB5];
	_ =	sdelay $0x3  }
0x36: {  	p1 =	seq.s32 s10, $0x1;
	s10 =	sld [smem:$0x3FB6];
	_ =	sdelay $0x3  }
0x37: {  	[smem:$0x3FB6] =	sst s10  }
0x38: {  	s10 =	sld [smem:$0x3FB7]  }
0x39: {  	_ = 	snop;
	(pc) =	sbr.ind lr, $3  }
0x3a: {  	_ = 	snop  }
0x3b: {  	_ = 	snop  }
0x3c: {  	p2 =	seq.s32 s10, $0x1;
	s10 =	sld [smem:$0x3FB6]  }
0x3d: {  	_ =	shalt  }
0x3e: {  	_ =	shalt  }
0x3f: {  	_ =	shalt  }
0x40: {  	_ =	shalt  }
0x41: {  	_ =	shalt  }
0x42: {  	_ =	shalt  }
0x43: {  	_ =	shalt  }
0x44: {  	_ =	shalt  }
0x45: {  	_ =	shalt  }
0x46: {  	_ =	shalt  }
0x47: {  	_ =	shalt  }
0x48: {  	_ =	shalt  }
0x49: {  	_ =	shalt  }
0x4a: {  	_ =	shalt  }
0x4b: {  	_ =	shalt  }
0x4c: {  	_ =	shalt  }
0x4d: {  	_ =	shalt  }
0x4e: {  	_ =	shalt  }
0x4f: {  	_ =	shalt  }
0x50: {  	_ =	shalt  }
0x51: {  	_ =	shalt  }
0x52: {  	_ =	shalt  }
0x53: {  	_ =	shalt  }
0x54: {  	_ =	shalt  }
0x55: {  	_ =	shalt  }
0x56: {  	_ =	shalt  }
0x57: {  	_ =	shalt  }
0x58: {  	_ =	shalt  }
0x59: {  	_ =	shalt  }
0x5a: {  	_ =	shalt  }
0x5b: {  	_ =	shalt  }
0x5c: {  	_ =	shalt  }
0x5d: {  	_ =	shalt  }
0x5e: {  	_ =	shalt  }
0x5f: {  	_ =	shalt  }
0x60: {  	_ =	shalt  }
0x61: {  	_ =	shalt  }
0x62: {  	_ =	shalt  }
0x63: {  	_ =	shalt  }
0x64: {  	_ =	shalt  }
0x65: {  	_ =	shalt  }
0x66: {  	_ =	shalt  }
0x67: {  	_ =	shalt  }
0x68: {  	_ =	shalt  }
0x69: {  	_ =	shalt  }
0x6a: {  	_ =	shalt  }
0x6b: {  	_ =	shalt  }
0x6c: {  	_ =	shalt  }
0x6d: {  	_ =	shalt  }
0x6e: {  	_ =	shalt  }
0x6f: {  	_ =	shalt  }
0x70: {  	_ =	shalt  }
0x71: {  	_ =	shalt  }
0x72: {  	_ =	shalt  }
0x73: {  	_ =	shalt  }
0x74: {  	_ =	shalt  }
0x75: {  	_ =	shalt  }
0x76: {  	_ =	shalt  }
0x77: {  	_ =	shalt  }
0x78: {  	_ =	shalt  }
0x79: {  	_ =	shalt  }
0x7a: {  	_ =	shalt  }
0x7b: {  	_ =	shalt  }
0x7c: {  	_ =	shalt  }
0x7d: {  	_ =	shalt  }
0x7e: {  	_ =	shalt  }
0x7f: {  	_ =	shalt  }
0x80: {  	_ =	shalt  }
0x81: {  	_ =	shalt  }
0x82: {  	_ =	shalt  }
0x83: {  	_ =	shalt  }
0x84: {  	_ =	shalt  }
0x85: {  	_ =	shalt  }
0x86: {  	_ =	shalt  }
0x87: {  	_ =	shalt  }
.Lfunc_end0:
.L_simem_size_0:
called_computation.1_lowered:
.L_overlay_start_0:
0x88: {  	s2 =	sld [smem:$0x3FD9]  }
0x89: {  	s3 =	sld [smem:$0x3FFE];
	_ =	sdelay $0x1  }
0x8a: {  	s1 =	srdreg.scid  }
0x8b: {  	s0 =	sand.u32 $0x1, s1  }
0x8c: {  	s17 =	sshll.u32 s0, $0xA;
	s2 =	sadd.s32 s3, s2  }
0x8d: {  	s2 =	sadd.s32 s2, s17  }
0x8e: {  	[smem:$0x3FC2] =	sst s2  }
0x8f: {  	_ = 	snop  }
0x90: {  	s2 =	sld [smem:$0x3FD0];
	(tm) =	ssettm $0x1  }
0x91: {  	s18 =	sld [smem:$0x3FFB];
	_ =	sdelay $0x3  }
0x92: {  	_ =	strace s18  }
0x93: {  	s3 =	sld [smem:$0x3FFC];
	_ =	sdelay $0x3  }
0x94: {  	_ =	strace s3  }
0x95: {  	s3 =	sld [smem:$0x3FFD];
	_ =	sdelay $0x3  }
0x96: {  	_ =	strace s3  }
0x97: {  	_ =	strace $0x8FFFFFFF  }
0x98: {  	s19 =	sld [smem:$0x3FDB];
	_ =	sdelay $0x1  }
0x99: {  	s4 =	simm.s32 $_scs_section_size  }
0x9a: {  	s5 =	simm.s32 $_size__tile_overlayer_lowered;
	s6 =	simm.s32 $_tile_overlayer_lowered  }
0x9b: {  	s22 =	simm.s32 $0x1BFF;
	s21 =	sshll.u32 s6, $0x1;
	s3 =	sadd.s32 s4, s19  }
0x9c: {  	s7 =	simm.s32 $0x0;
	s20 =	sshll.u32 s5, $0x1;
	s5 =	sadd.s32 s21, s3  }
0x9d: {  	[timem:s7], [sflag:s22] =	dma.local [hbm:s5], s20  }
0x9e: {  	_ =	swait.ge [sflag:s22], s20  }
0x9f: {  	s4 =	ssub.s32 $0x0, s20;
	[sflag:s22] =	ssyncset.done $0x0  }
0xa0: {  	[sflag:s22] =	ssyncadd.s32 s4;
	_ =	sdelay $0x1  }
0xa1: {  	s23 =	simm.s32 $0x1B8B  }
0xa2: {  	_ =	swait.ge [sflag:s23], $0x1  }
0xa3: {  	[sflag:s23] =	ssyncset.done $0x0  }
0xa4: {  	s25 =	simm.s32 $0x1B8E;
	s24 =	sld [smem:$0x3FFE];
	[sflag:s23] =	ssyncadd.s32 $0xFFFFFFFF  }
0xa5: {  	s26 =	simm.s32 $execute0_lowered;
	[smem:$0x3FD2] =	sst s25  }
0xa6: {  	s5 =	sshll.u32 s26, $0x1;
	_ =	strace $0x80000049;
	[dreg:$0x1] =	wrdreg $0xFFFFFFFF  }
0xa7: {  	s28 =	simm.s32 $_size_execute0_lowered;
	s3 =	sadd.s32 s3, s5;
	[dreg:$0x0] =	wrdreg $0x0  }
0xa8: {  	s5 =	sshll.u32 s28, $0x1;
	[dreg:$0x2] =	wrdreg s3  }
0xa9: {  	[dreg:$0x3] =	wrdreg s5  }
0xaa: {  	[dreg:$0x4] =	wrdreg $0xC0  }
0xab: {  	_ =	task [dreg:s7], $0x5FFFF  }
0xac: {  	[dreg:$0x1] =	wrdreg $0xFFFFFFFF  }
0xad: {  	[dreg:$0x0] =	wrdreg $0x60  }
0xae: {  	[dreg:$0x2] =	wrdreg s24  }
0xaf: {  	[dreg:$0x3] =	wrdreg s2  }
0xb0: {  	[dreg:$0x4] =	wrdreg $0x82000  }
0xb1: {  	[dreg:$0x5] =	wrdreg $0x9  }
0xb2: {  	_ =	task.clear_ibuf [dreg:s7], $0x6FFFF;
	_ =	strace $0x90000049  }
0xb3: {  	s29 =	simm.s32 $0x9;
	_ =	strace $0x8000004B  }
0xb4: {  	_ =	swait.ge [sflag:s29], $0x1  }
0xb5: {  	[sflag:s29] =	ssyncadd.s32 $0xFFFFFFFF  }
0xb6: {  	_ =	strace $0x9000004B  }
0xb7: {  	_ =	sfence  }
0xb8: {  	s30 =	sld [smem:$0x0];
	_ =	sdelay $0x2  }
0xb9: {  	s31 =	sshll.u32 s1, $0xD;
	s1 =	sshrl.u32 s1, $0x2  }
0xba: {  	s3 =	sand.u32 $0x4000, s31;
	s1 =	sadd.s32 s1, s30  }
0xbb: {  	s0 =	sor.u32 s3, s0;
	s1 =	sshll.u32 s1, $0x11  }
0xbc: {  	s0 =	sor.u32 s1, s0  }
0xbd: {  	s0 =	sadd.s32 $0x8F2B, s0  }
0xbe: {  	[sflag:s0] =	ssyncadd.remote.s32 $0x1  }
0xbf: {  	_ =	sfence.sel $0xFFFF  }
0xc0: {  	[dreg:$0x0] =	wrdreg $0xFFFFFFFF;
	(pc) =	sbr.abs _section_cstart, $3  }
0xc1: {  	[dreg:$0x1] =	wrdreg $0xFFFFFFFF  }
0xc2: {  	_ =	task.clear_ibuf [dreg:s7], $0x2FFFF;
	_ =	strace $0x9FFFFFFF  }
0xc3: {  	(tm) =	ssettm $0x7FFFFFFF  }
tec
execute0_lowered:
.L_overlay_start_1:
0x0: {  	(tag) =	ssettag $0x1  }
0x1: {  	s6 =	rddreg [dreg:$0x0]  }
0x2: {  	s15 =	rddreg [dreg:$0x1]  }
0x3: {  	s2 =	rddreg [dreg:$0x2]  }
0x4: {  	s0 =	rddreg [dreg:$0x3];
	s3 =	simm.s32 $0x0;
	s4 =	srdreg.scid  }
0x5: {  	s1 =	stileid.u32;
	s20 =	simm.s32 $0x80;
	s21 =	simm.s32 $0x200  }
0x6: {  	s22 =	simm.s32 $0x180;
	s23 =	simm.s32 $0x4200;
	s24 =	simm.s32 $0x1  }
0x7: {  	s28 =	simm.s32 $0x0;
	[smem:$0x7FF] =	sst s3;
	s7 =	sand.u32 $0x1, s4  }
0x8: {  	s8 =	smul.u32 $0x14000, s1;
	s4 =	sadd.s32 $0x5EC00, s6;
	s16 =	sadd.s32 $0x54C00, s6  }
0x9: {  	s5 =	sadd.s32 $0x1C00, s6;
	s11 =	sshll.u32 s1, $0x1;
	s29 =	smul.u32 $0x5000, s1  }
0xa: {  	s26 =	sshll.u32 s1, $0x6;
	_ =	strace $0x8000004A;
	s9 =	smul.u32 $0x140000, s7  }
0xb: {  	s10 =	ssub.s32 $0x2, s7;
	s11 =	sor.u32 s7, s11;
	s14 =	smul.u32 $0x2800, s7  }
0xc: {  	s12 =	sshrl.u32 s10, $0x1;
	s25 =	smul.u32 $0x2800, s11;
	s17 =	sadd.s32 s8, s2  }
0xd: {  	s9 =	sadd.s32 s8, s9;
	s12 =	ssub.s32 s10, s12;
	s14 =	sadd.s32 s14, s29  }
0xe: {  	s17 =	sshrl.u32 s17, $0x3;
	s9 =	sshrl.u32 s9, $0x3;
	s31 =	sor.u32 $0x180, s14  }
0xf: {  	s14 =	sor.u32 $0x100, s14;
	s12 =	smax.u32 s12, $0x1;
	s13 =	sadd.s32 s9, s6  }
0x10: {  	s6 =	sor.u32 $0x1C03, s26;
	s9 =	sshrl.u32 s25, $0x3;
	s18 =	sshrl.u32 s31, $0x3  }
0x11: {  	s19 =	sshrl.u32 s14, $0x3;
	s25 =	simm.s32 $0x4;
	s26 =	simm.s32 $0x2  }
0x12: {  	s7 =	sadd.s32 s16, s9;
	s8 =	sadd.s32 s15, s9;
	s30 =	sor.u32 $0x10, s9  }
0x13: {  	s11 =	sadd.s32 $0x86C00, s13;
	s13 =	sadd.s32 s18, s15;
	s14 =	sadd.s32 s18, s16  }
0x14: {  	s18 =	simm.s32 $0x3;
	s9 =	sadd.s32 s16, s30;
	s10 =	sadd.s32 s15, s30  }
0x15: {  	s15 =	sadd.s32 s19, s15;
	s16 =	sadd.s32 s19, s16;
	s19 =	simm.s32 $0x100  }
.LBB2_1:
0x16: {  	[spmem:s17], [sflag:s6] =	dma.local [hbm:s5], $0x2800  }
0x17: {  	_ =	swait.ge [sflag:s18], $0x2800  }
0x18: {  	[sflag:s18] =	ssyncset.done $0x0  }
0x19: {  	[sflag:s18] =	ssyncadd.s32 $0xFFFFD800  }
0x1a: {  	[tilespmem:s3], [sflag:$0x3] =	stream.linear.gather [hbm4b:s7+s3], $0x80, $0x38;
	[tilespmem:$0x1C200] =	vst v63  }
0x1b: {  	_ =	swait.ge [sflag:s18], $0x80  }
0x1c: {  	[sflag:s18] =	ssyncset.done $0x0  }
0x1d: {  	[sflag:s18] =	ssyncadd.s32 $0xFFFFFF80  }
0x1e: {  	[tilespmem:s19], [sflag:$0x3] =	stream.linear.gather [hbm4b:s8+s3], $0x80, $0x38;
	[tilespmem:$0x1C200] =	vst v63  }
0x1f: {  	_ =	swait.ge [sflag:s18], $0x80  }
0x20: {  	[sflag:s18] =	ssyncset.done $0x0  }
0x21: {  	[sflag:s18] =	ssyncadd.s32 $0xFFFFFF80  }
0x22: {  	[bflag:$0x0] =	sbarrier.arrive $0xFFFF  }
0x23: {  	[tilespmem:s21], [sflag:$0x1] =	stream.indirect.gather [hbm4b:s4+s20], $0x80, s3, s20, $0xb8;
	[tilespmem:$0x1C200] =	vst v63  }
0x24: {  	_ = 	snop  }
0x25: {  	[tilespmem:s20], [sflag:$0x3] =	stream.linear.gather [hbm4b:s9+s3], $0x80, $0x38;
	[tilespmem:$0x1C200] =	vst v63  }
0x26: {  	_ =	swait.ge [sflag:s18], $0x80  }
0x27: {  	[sflag:s18] =	ssyncset.done $0x0  }
0x28: {  	[sflag:s18] =	ssyncadd.s32 $0xFFFFFF80  }
0x29: {  	[tilespmem:s22], [sflag:$0x3] =	stream.linear.gather [hbm4b:s10+s3], $0x80, $0x38;
	[tilespmem:$0x1C200] =	vst v63  }
0x2a: {  	_ =	swait.ge [sflag:s18], $0x80  }
0x2b: {  	[sflag:s18] =	ssyncset.done $0x0  }
0x2c: {  	[sflag:s18] =	ssyncadd.s32 $0xFFFFFF80  }
0x2d: {  	[tilespmem:s23], [sflag:$0x2] =	stream.indirect.gather [hbm4b:s4+s20], $0x80, s20, s20, $0xb8;
	[tilespmem:$0x1C200] =	vst v63  }
0x2e: {  	_ =	swait.ge [sflag:s24], $0x4000  }
0x2f: {  	[sflag:s24] =	ssyncset.done $0x0  }
0x30: {  	[sflag:s24] =	ssyncadd.s32 $0xFFFFC000  }
0x31: {  	[spmem:s2] =	stream.indirect.scatter.add.f32 [tilespmem:s21], [sflag:$0x4], $0x80, s19, s20, $0xb8;
	[tilespmem:$0x1C200] =	vst v63  }
0x32: {  	_ =	swait.ge [sflag:s25], $0x4000  }
0x33: {  	[sflag:s25] =	ssyncset.done $0x0  }
0x34: {  	s29 =	sadd.s32 $0x0, s16;
	[sflag:s25] =	ssyncadd.s32 $0xFFFFC000  }
0x35: {  	[tilespmem:s3], [sflag:$0x4] =	stream.linear.gather [hbm4b:s29+s3], $0x80, $0x38;
	[tilespmem:$0x1C200] =	vst v63  }
0x36: {  	_ =	swait.ge [sflag:s25], $0x80  }
0x37: {  	[sflag:s25] =	ssyncset.done $0x0  }
0x38: {  	s29 =	sadd.s32 $0x0, s15;
	[sflag:s25] =	ssyncadd.s32 $0xFFFFFF80  }
0x39: {  	[tilespmem:s19], [sflag:$0x4] =	stream.linear.gather [hbm4b:s29+s3], $0x80, $0x38;
	[tilespmem:$0x1C200] =	vst v63  }
0x3a: {  	_ =	swait.ge [sflag:s25], $0x80  }
0x3b: {  	[sflag:s25] =	ssyncset.done $0x0  }
0x3c: {  	[sflag:s25] =	ssyncadd.s32 $0xFFFFFF80  }
0x3d: {  	[tilespmem:s21], [sflag:$0x1] =	stream.indirect.gather [hbm4b:s4+s20], $0x80, s3, s20, $0xb8;
	[tilespmem:$0x1C200] =	vst v63  }
0x3e: {  	_ =	swait.ge [sflag:s26], $0x4000  }
0x3f: {  	[sflag:s26] =	ssyncset.done $0x0  }
0x40: {  	[sflag:s26] =	ssyncadd.s32 $0xFFFFC000  }
0x41: {  	[spmem:s2] =	stream.indirect.scatter.add.f32 [tilespmem:s23], [sflag:$0x4], $0x80, s22, s20, $0xb8;
	[tilespmem:$0x1C200] =	vst v63  }
0x42: {  	_ =	swait.ge [sflag:s25], $0x4000  }
0x43: {  	[sflag:s25] =	ssyncset.done $0x0  }
0x44: {  	s29 =	sadd.s32 $0x0, s14;
	[sflag:s25] =	ssyncadd.s32 $0xFFFFC000  }
0x45: {  	[tilespmem:s20], [sflag:$0x4] =	stream.linear.gather [hbm4b:s29+s3], $0x80, $0x38;
	[tilespmem:$0x1C200] =	vst v63  }
0x46: {  	_ =	swait.ge [sflag:s25], $0x80  }
0x47: {  	[sflag:s25] =	ssyncset.done $0x0  }
0x48: {  	s29 =	sadd.s32 $0x0, s13;
	[sflag:s25] =	ssyncadd.s32 $0xFFFFFF80  }
0x49: {  	[tilespmem:s22], [sflag:$0x3] =	stream.linear.gather [hbm4b:s29+s3], $0x80, $0x38;
	[tilespmem:$0x1C200] =	vst v63  }
0x4a: {  	_ =	swait.ge [sflag:s18], $0x80  }
0x4b: {  	s29 =	simm.s32 $0x20;
	[sflag:s18] =	ssyncset.done $0x0  }
.LBB2_2:
0x4c: {  	p0 =	sne.s32 s29, $0x4C0  }
0x4d: {  	[sflag:s18] =	ssyncadd.s32 $0xFFFFFF80;
	s30 =	smov.u32 s29;
	s29 =	sadd.s32 $0x20, s29  }
0x4e: {  	[tilespmem:s23], [sflag:$0x2] =	stream.indirect.gather [hbm4b:s4+s20], $0x80, s20, s20, $0xb8;
	[tilespmem:$0x1C200] =	vst v63  }
0x4f: {  	_ =	swait.ge [sflag:s24], $0x4000  }
0x50: {  	[sflag:s24] =	ssyncset.done $0x0  }
0x51: {  	[sflag:s24] =	ssyncadd.s32 $0xFFFFC000  }
0x52: {  	[spmem:s2] =	stream.indirect.scatter.add.f32 [tilespmem:s21], [sflag:$0x4], $0x80, s19, s20, $0xb8;
	[tilespmem:$0x1C200] =	vst v63  }
0x53: {  	_ =	swait.ge [sflag:s25], $0x4000  }
0x54: {  	[sflag:s25] =	ssyncset.done $0x0  }
0x55: {  	s31 =	sadd.s32 s30, s16;
	[sflag:s25] =	ssyncadd.s32 $0xFFFFC000  }
0x56: {  	[tilespmem:s3], [sflag:$0x4] =	stream.linear.gather [hbm4b:s31+s3], $0x80, $0x38;
	[tilespmem:$0x1C200] =	vst v63  }
0x57: {  	_ =	swait.ge [sflag:s25], $0x80  }
0x58: {  	[sflag:s25] =	ssyncset.done $0x0  }
0x59: {  	s31 =	sadd.s32 s30, s15;
	[sflag:s25] =	ssyncadd.s32 $0xFFFFFF80  }
0x5a: {  	[tilespmem:s19], [sflag:$0x4] =	stream.linear.gather [hbm4b:s31+s3], $0x80, $0x38;
	[tilespmem:$0x1C200] =	vst v63  }
0x5b: {  	_ =	swait.ge [sflag:s25], $0x80  }
0x5c: {  	[sflag:s25] =	ssyncset.done $0x0  }
0x5d: {  	[sflag:s25] =	ssyncadd.s32 $0xFFFFFF80  }
0x5e: {  	[tilespmem:s21], [sflag:$0x1] =	stream.indirect.gather [hbm4b:s4+s20], $0x80, s3, s20, $0xb8;
	[tilespmem:$0x1C200] =	vst v63  }
0x5f: {  	_ =	swait.ge [sflag:s26], $0x4000  }
0x60: {  	[sflag:s26] =	ssyncset.done $0x0  }
0x61: {  	[sflag:s26] =	ssyncadd.s32 $0xFFFFC000  }
0x62: {  	[spmem:s2] =	stream.indirect.scatter.add.f32 [tilespmem:s23], [sflag:$0x4], $0x80, s22, s20, $0xb8;
	[tilespmem:$0x1C200] =	vst v63  }
0x63: {  	_ =	swait.ge [sflag:s25], $0x4000  }
0x64: {  	[sflag:s25] =	ssyncset.done $0x0  }
0x65: {  	s31 =	sadd.s32 s30, s14;
	[sflag:s25] =	ssyncadd.s32 $0xFFFFC000  }
0x66: {  	[tilespmem:s20], [sflag:$0x4] =	stream.linear.gather [hbm4b:s31+s3], $0x80, $0x38;
	[tilespmem:$0x1C200] =	vst v63  }
0x67: {  	_ =	swait.ge [sflag:s25], $0x80  }
.Ltmp0:
0x68: {  	[sflag:s25] =	ssyncset.done $0x0;
	(pc) =	sbr.rel @p0 .LBB2_2-.Ltmp0, $4  }
0x69: {  	s30 =	sadd.s32 s30, s13;
	[sflag:s25] =	ssyncadd.s32 $0xFFFFFF80  }
0x6a: {  	[tilespmem:s22], [sflag:$0x3] =	stream.linear.gather [hbm4b:s30+s3], $0x80, $0x38;
	[tilespmem:$0x1C200] =	vst v63  }
0x6b: {  	_ =	swait.ge [sflag:s18], $0x80  }
0x6c: {  	[sflag:s18] =	ssyncset.done $0x0  }
0x6d: {  	[sflag:s18] =	ssyncadd.s32 $0xFFFFFF80  }
0x6e: {  	[tilespmem:s23], [sflag:$0x2] =	stream.indirect.gather [hbm4b:s4+s20], $0x80, s20, s20, $0xb8;
	[tilespmem:$0x1C200] =	vst v63  }
0x6f: {  	_ =	swait.ge [sflag:s24], $0x4000  }
0x70: {  	[sflag:s24] =	ssyncset.done $0x0  }
0x71: {  	[sflag:s24] =	ssyncadd.s32 $0xFFFFC000  }
0x72: {  	[spmem:s2] =	stream.indirect.scatter.add.f32 [tilespmem:s21], [sflag:$0x4], $0x80, s19, s20, $0xb8;
	[tilespmem:$0x1C200] =	vst v63  }
0x73: {  	_ =	swait.ge [sflag:s25], $0x4000  }
0x74: {  	[sflag:s25] =	ssyncset.done $0x0  }
0x75: {  	[sflag:s25] =	ssyncadd.s32 $0xFFFFC000  }
0x76: {  	_ =	swait.ge [sflag:s26], $0x4000  }
0x77: {  	[sflag:s26] =	ssyncset.done $0x0  }
0x78: {  	[sflag:s26] =	ssyncadd.s32 $0xFFFFC000  }
0x79: {  	[spmem:s2] =	stream.indirect.scatter.add.f32 [tilespmem:s23], [sflag:$0x4], $0x80, s22, s20, $0xb8;
	[tilespmem:$0x1C200] =	vst v63  }
0x7a: {  	_ =	swait.ge [sflag:s25], $0x4000  }
0x7b: {  	s28 =	sadd.s32 $0x1, s28;
	[sflag:s25] =	ssyncset.done $0x0  }
0x7c: {  	p0 =	sne.s32 s28, s12;
	[sflag:s25] =	ssyncadd.s32 $0xFFFFC000  }
.Ltmp1:
0x7d: {  	[bflag:$0x0] =	sbarrier.arrive $0xFFFF;
	(pc) =	sbr.rel @p0 .LBB2_1-.Ltmp1, $4  }
0x7e: {  	[hbm:s11], [sflag:s6] =	dma.local [spmem:s17], $0x2800  }
0x7f: {  	_ =	swait.ge [sflag:s18], $0x2800  }
0x80: {  	[sflag:s18] =	ssyncset.done $0x0  }
0x81: {  	[sflag:s18] =	ssyncadd.s32 $0xFFFFD800  }
0x82: {  	_ =	sfence.sel $0x180000  }
0x83: {  	[bflag:$0x0] =	sbarrier.arrive $0xFFFF  }
0x84: {  	p0 =	sne.s32 s1, $0x0;
	_ =	strace $0x9000004A  }
0x85: {  	s0 =	sadd.s32 @!p0 $0x100000, s0;
	[bflag:$0x2] =	sbarrier.arrive $0xFFFF  }
0x86: {  	[sflag:s0] =	ssyncadd.tile.s32 @!p0 $0x1;
	_ =	shalt  }
.Lfunc_end2:
_tile_overlayer_lowered:
.L_overlay_start_2:
0x87: {  	(tag) =	ssettag $0x2  }
0x88: {  	s0 =	rddreg [dreg:$0x0];
	s2 =	stileid.u32  }
0x89: {  	s1 =	rddreg [dreg:$0x1];
	p0 =	sne.s32 s2, $0x0  }
0x8a: {  	s3 =	rddreg [dreg:$0x2];
	[bflag:$0x3] =	sbarrier.arrive $0xFFFF;
	s2 =	simm.s32 @!p0 $0x1C03  }
0x8b: {  	[timem:s3], [sflag:s2] =	dma.local @!p0 [hbm:s0], s1  }
0x8c: {  	s0 =	simm.s32 @!p0 $0x3  }
0x8d: {  	_ =	swait.ge @!p0 [sflag:s0], s1  }
0x8e: {  	s1 =	ssub.s32 @!p0 $0x0, s1;
	[sflag:s0] =	ssyncset.done @!p0 $0x0  }
0x8f: {  	[sflag:s0] =	ssyncadd.s32 @!p0 s1  }
0x90: {  	[bflag:$0x3] =	sbarrier.arrive $0xFFFF  }
0x91: {  	_ =	shalt  }

// kernel: kernel.14.cloned.1.call-start
scs
__scs_entry_jumppad:
0x0: {  	(pc) =	sbr.rel $0x88, $3  }
0x1: {  	(tag) =	ssettag $0x0;
	lr =	simm.s32 $0x1  }
0x2: {  	[smem:$0x3F9B] =	sst lr;
	_ =	strace $0xD0000000  }
0x3: {  	_ = 	snop  }
0x4: {  	_ = 	snop  }
0x5: {  	_ = 	snop  }
0x6: {  	_ = 	snop  }
0x7: {  	_ = 	snop  }
__scs_overlays_trampoline_lowered:
0x8: {  	[smem:$0x3FAA] =	sst s0  }
0x9: {  	[smem:$0x3FAB] =	sst s1  }
0xa: {  	[smem:$0x3FAC] =	sst s2  }
0xb: {  	[smem:$0x3FAD] =	sst s3  }
0xc: {  	[smem:$0x3FAE] =	sst s4  }
0xd: {  	[smem:$0x3FAF] =	sst s5  }
0xe: {  	[smem:$0x3FB0] =	sst s6  }
0xf: {  	[smem:$0x3FB1] =	sst s7  }
0x10: {  	[smem:$0x3FB2] =	sst s8  }
0x11: {  	[smem:$0x3FB3] =	sst s9;
	s0 =	simm.s32 @!p0 $0x0  }
0x12: {  	s1 =	sld [smem:$0x3F99];
	s0 =	simm.s32 @p0 $0x1  }
0x13: {  	[smem:$0x3FB4] =	sst s0;
	s0 =	simm.s32 @!p1 $0x0  }
0x14: {  	s2 =	sld [smem:$0x3F98];
	s0 =	simm.s32 @p1 $0x1  }
0x15: {  	[smem:$0x3FB5] =	sst s0;
	s0 =	simm.s32 @!p2 $0x0  }
0x16: {  	s3 =	sld [smem:$0x3FDB];
	s0 =	simm.s32 @p2 $0x1  }
0x17: {  	s4 =	simm.s32 $0x1BF5;
	[smem:$0x3FB7] =	sst s0  }
0x18: {  	s0 =	sld [smem:$0x3F9A];
	_ =	swait.ge [sflag:s4], $0x0  }
0x19: {  	s7 =	sld [smem:$0x3F9B]  }
0x1a: {  	s8 =	sadd.s32 $0xFFFFE003, lr  }
0x1b: {  	s9 =	sadd.s32 $0xFFFFFEF7, lr;
	s5 =	simm.s32 $0xFFFFFFFF;
	p2 =	slt.u32 s8, $0xFFFFF086  }
0x1c: {  	p1 =	slt.u32 s9, $0xF7A;
	s5 =	simm.s32 @!p2 $0x0  }
0x1d: {  	s5 =	simm.s32 @p1 $0x1;
	p0 =	seq.s32 s7, s2  }
0x1e: {  	s7 =	smul.u32 @!p0 $0xF7A, s2;
	p2 =	seq.s32 @!p0 s5, $0x0  }
0x1f: {  	s9 =	smul.u32 $0xF7A, s1;
	s8 =	simm.s32 @!p0 $0x1BF5;
	p2 =	por !p2, p0  }
0x20: {  	[sflag:s8] =	ssyncset.s32 @!p0 $0xFFFFF086;
	s6 =	sadd.s32 @!p0 s3, s7;
	s7 =	simm.s32 @!p0 $0x108  }
0x21: {  	s3 =	sadd.s32 s3, s9;
	s6 =	sadd.s32 @!p0 $0x88, s6;
	s7 =	simm.s32 @p2 $0x1082  }
0x22: {  	[simem:s7], [sflag:s8] =	dma.local @!p0 [hbm:s6], $0xF7A  }
0x23: {  	s9 =	sor.u32 $0xD0000000, s2;
	s6 =	simm.s32 $0x108;
	_ =	swait.ge @!p0 [sflag:s8], $0x0  }
0x24: {  	s3 =	sadd.s32 $0x88, s3;
	s6 =	simm.s32 @!p1 $0x1082;
	[sflag:s4] =	ssyncset.s32 $0xFFFFF086  }
0x25: {  	[simem:s6], [sflag:s4] =	dma.local [hbm:s3], $0xF7A  }
0x26: {  	[smem:$0x3F9B] =	sst s1;
	(tag) =	ssettag s2;
	_ =	strace s9  }
0x27: {  	s1 =	sld [smem:$0x3FAB]  }
0x28: {  	s2 =	sld [smem:$0x3FAC]  }
0x29: {  	s4 =	sld [smem:$0x3FAE]  }
0x2a: {  	p0 =	seq.s32 s5, $0x0;
	s5 =	sld [smem:$0x3FAF]  }
0x2b: {  	s6 =	sld [smem:$0x3FB0]  }
0x2c: {  	s7 =	sld [smem:$0x3FB1]  }
0x2d: {  	s3 =	simm.s32 $0x108;
	s8 =	sld [smem:$0x3FB2]  }
0x2e: {  	s3 =	simm.s32 @!p0 $0x1082;
	s9 =	sld [smem:$0x3FB3]  }
0x2f: {  	lr =	sadd.s32 s0, s3;
	s0 =	sld [smem:$0x3FAA]  }
0x30: {  	s3 =	sld [smem:$0x3FAD]  }
0x31: {  	[smem:$0x3FB6] =	sst s10  }
0x32: {  	s10 =	sld [smem:$0x3FB4];
	_ =	sdelay $0x3  }
0x33: {  	p0 =	seq.s32 s10, $0x1;
	s10 =	sld [smem:$0x3FB6];
	_ =	sdelay $0x3  }
0x34: {  	[smem:$0x3FB6] =	sst s10  }
0x35: {  	s10 =	sld [smem:$0x3FB5];
	_ =	sdelay $0x3  }
0x36: {  	p1 =	seq.s32 s10, $0x1;
	s10 =	sld [smem:$0x3FB6];
	_ =	sdelay $0x3  }
0x37: {  	[smem:$0x3FB6] =	sst s10  }
0x38: {  	s10 =	sld [smem:$0x3FB7]  }
0x39: {  	_ = 	snop;
	(pc) =	sbr.ind lr, $3  }
0x3a: {  	_ = 	snop  }
0x3b: {  	_ = 	snop  }
0x3c: {  	p2 =	seq.s32 s10, $0x1;
	s10 =	sld [smem:$0x3FB6]  }
0x3d: {  	_ =	shalt  }
0x3e: {  	_ =	shalt  }
0x3f: {  	_ =	shalt  }
0x40: {  	_ =	shalt  }
0x41: {  	_ =	shalt  }
0x42: {  	_ =	shalt  }
0x43: {  	_ =	shalt  }
0x44: {  	_ =	shalt  }
0x45: {  	_ =	shalt  }
0x46: {  	_ =	shalt  }
0x47: {  	_ =	shalt  }
0x48: {  	_ =	shalt  }
0x49: {  	_ =	shalt  }
0x4a: {  	_ =	shalt  }
0x4b: {  	_ =	shalt  }
0x4c: {  	_ =	shalt  }
0x4d: {  	_ =	shalt  }
0x4e: {  	_ =	shalt  }
0x4f: {  	_ =	shalt  }
0x50: {  	_ =	shalt  }
0x51: {  	_ =	shalt  }
0x52: {  	_ =	shalt  }
0x53: {  	_ =	shalt  }
0x54: {  	_ =	shalt  }
0x55: {  	_ =	shalt  }
0x56: {  	_ =	shalt  }
0x57: {  	_ =	shalt  }
0x58: {  	_ =	shalt  }
0x59: {  	_ =	shalt  }
0x5a: {  	_ =	shalt  }
0x5b: {  	_ =	shalt  }
0x5c: {  	_ =	shalt  }
0x5d: {  	_ =	shalt  }
0x5e: {  	_ =	shalt  }
0x5f: {  	_ =	shalt  }
0x60: {  	_ =	shalt  }
0x61: {  	_ =	shalt  }
0x62: {  	_ =	shalt  }
0x63: {  	_ =	shalt  }
0x64: {  	_ =	shalt  }
0x65: {  	_ =	shalt  }
0x66: {  	_ =	shalt  }
0x67: {  	_ =	shalt  }
0x68: {  	_ =	shalt  }
0x69: {  	_ =	shalt  }
0x6a: {  	_ =	shalt  }
0x6b: {  	_ =	shalt  }
0x6c: {  	_ =	shalt  }
0x6d: {  	_ =	shalt  }
0x6e: {  	_ =	shalt  }
0x6f: {  	_ =	shalt  }
0x70: {  	_ =	shalt  }
0x71: {  	_ =	shalt  }
0x72: {  	_ =	shalt  }
0x73: {  	_ =	shalt  }
0x74: {  	_ =	shalt  }
0x75: {  	_ =	shalt  }
0x76: {  	_ =	shalt  }
0x77: {  	_ =	shalt  }
0x78: {  	_ =	shalt  }
0x79: {  	_ =	shalt  }
0x7a: {  	_ =	shalt  }
0x7b: {  	_ =	shalt  }
0x7c: {  	_ =	shalt  }
0x7d: {  	_ =	shalt  }
0x7e: {  	_ =	shalt  }
0x7f: {  	_ =	shalt  }
0x80: {  	_ =	shalt  }
0x81: {  	_ =	shalt  }
0x82: {  	_ =	shalt  }
0x83: {  	_ =	shalt  }
0x84: {  	_ =	shalt  }
0x85: {  	_ =	shalt  }
0x86: {  	_ =	shalt  }
0x87: {  	_ =	shalt  }
.Lfunc_end0:
.L_simem_size_0:
called_computation.2_lowered:
.L_overlay_start_0:
0x88: {  	s2 =	sld [smem:$0x3FD9]  }
0x89: {  	s3 =	sld [smem:$0x3FFE];
	_ =	sdelay $0x1  }
0x8a: {  	s1 =	srdreg.scid  }
0x8b: {  	s0 =	sand.u32 $0x1, s1  }
0x8c: {  	s17 =	sshll.u32 s0, $0xA;
	s2 =	sadd.s32 s3, s2  }
0x8d: {  	s2 =	sadd.s32 s2, s17  }
0x8e: {  	[smem:$0x3FC2] =	sst s2  }
0x8f: {  	_ = 	snop  }
0x90: {  	s2 =	sld [smem:$0x3FD0];
	(tm) =	ssettm $0x1  }
0x91: {  	s18 =	sld [smem:$0x3FFB];
	_ =	sdelay $0x3  }
0x92: {  	_ =	strace s18  }
0x93: {  	s3 =	sld [smem:$0x3FFC];
	_ =	sdelay $0x3  }
0x94: {  	_ =	strace s3  }
0x95: {  	s3 =	sld [smem:$0x3FFD];
	_ =	sdelay $0x3  }
0x96: {  	_ =	strace s3  }
0x97: {  	_ =	strace $0x8FFFFFFF  }
0x98: {  	s19 =	sld [smem:$0x3FDB];
	_ =	sdelay $0x1  }
0x99: {  	s4 =	simm.s32 $_scs_section_size  }
0x9a: {  	s5 =	simm.s32 $_size__tile_overlayer_lowered;
	s6 =	simm.s32 $_tile_overlayer_lowered  }
0x9b: {  	s22 =	simm.s32 $0x1BFF;
	s21 =	sshll.u32 s6, $0x1;
	s3 =	sadd.s32 s4, s19  }
0x9c: {  	s7 =	simm.s32 $0x0;
	s20 =	sshll.u32 s5, $0x1;
	s5 =	sadd.s32 s21, s3  }
0x9d: {  	[timem:s7], [sflag:s22] =	dma.local [hbm:s5], s20  }
0x9e: {  	_ =	swait.ge [sflag:s22], s20  }
0x9f: {  	s4 =	ssub.s32 $0x0, s20;
	[sflag:s22] =	ssyncset.done $0x0  }
0xa0: {  	[sflag:s22] =	ssyncadd.s32 s4;
	_ =	sdelay $0x1  }
0xa1: {  	s23 =	simm.s32 $0x1B8B  }
0xa2: {  	_ =	swait.ge [sflag:s23], $0x1  }
0xa3: {  	[sflag:s23] =	ssyncset.done $0x0  }
0xa4: {  	s25 =	simm.s32 $0x1B8E;
	s24 =	sld [smem:$0x3FFE];
	[sflag:s23] =	ssyncadd.s32 $0xFFFFFFFF  }
0xa5: {  	s26 =	simm.s32 $execute0_lowered;
	[smem:$0x3FD2] =	sst s25  }
0xa6: {  	s5 =	sshll.u32 s26, $0x1;
	_ =	strace $0x8000004C;
	[dreg:$0x1] =	wrdreg $0xFFFFFFFF  }
0xa7: {  	s28 =	simm.s32 $_size_execute0_lowered;
	s3 =	sadd.s32 s3, s5;
	[dreg:$0x0] =	wrdreg $0x0  }
0xa8: {  	s5 =	sshll.u32 s28, $0x1;
	[dreg:$0x2] =	wrdreg s3  }
0xa9: {  	[dreg:$0x3] =	wrdreg s5  }
0xaa: {  	[dreg:$0x4] =	wrdreg $0xC0  }
0xab: {  	_ =	task [dreg:s7], $0x5FFFF  }
0xac: {  	[dreg:$0x1] =	wrdreg $0xFFFFFFFF  }
0xad: {  	[dreg:$0x0] =	wrdreg $0x60  }
0xae: {  	[dreg:$0x2] =	wrdreg s24  }
0xaf: {  	[dreg:$0x3] =	wrdreg s2  }
0xb0: {  	[dreg:$0x4] =	wrdreg $0x32000  }
0xb1: {  	[dreg:$0x5] =	wrdreg $0x9  }
0xb2: {  	_ =	task.clear_ibuf [dreg:s7], $0x6FFFF;
	_ =	strace $0x9000004C  }
0xb3: {  	s29 =	simm.s32 $0x9;
	_ =	strace $0x8000004E  }
0xb4: {  	_ =	swait.ge [sflag:s29], $0x1  }
0xb5: {  	[sflag:s29] =	ssyncadd.s32 $0xFFFFFFFF  }
0xb6: {  	_ =	strace $0x9000004E  }
0xb7: {  	_ =	sfence  }
0xb8: {  	s30 =	sld [smem:$0x0];
	_ =	sdelay $0x2  }
0xb9: {  	s31 =	sshll.u32 s1, $0xD;
	s1 =	sshrl.u32 s1, $0x2  }
0xba: {  	s3 =	sand.u32 $0x4000, s31;
	s1 =	sadd.s32 s1, s30  }
0xbb: {  	s0 =	sor.u32 s3, s0;
	s1 =	sshll.u32 s1, $0x11  }
0xbc: {  	s0 =	sor.u32 s1, s0  }
0xbd: {  	s0 =	sadd.s32 $0x8F2B, s0  }
0xbe: {  	[sflag:s0] =	ssyncadd.remote.s32 $0x1  }
0xbf: {  	_ =	sfence.sel $0xFFFF  }
0xc0: {  	[dreg:$0x0] =	wrdreg $0xFFFFFFFF;
	(pc) =	sbr.abs _section_cstart, $3  }
0xc1: {  	[dreg:$0x1] =	wrdreg $0xFFFFFFFF  }
0xc2: {  	_ =	task.clear_ibuf [dreg:s7], $0x2FFFF;
	_ =	strace $0x9FFFFFFF  }
0xc3: {  	(tm) =	ssettm $0x7FFFFFFF  }
tec
execute0_lowered:
.L_overlay_start_1:
0x0: {  	(tag) =	ssettag $0x1  }
0x1: {  	s6 =	rddreg [dreg:$0x0]  }
0x2: {  	s15 =	rddreg [dreg:$0x1]  }
0x3: {  	s2 =	rddreg [dreg:$0x2]  }
0x4: {  	s0 =	rddreg [dreg:$0x3];
	s3 =	simm.s32 $0x0;
	s4 =	srdreg.scid  }
0x5: {  	s1 =	stileid.u32;
	s20 =	simm.s32 $0x80;
	s21 =	simm.s32 $0x200  }
0x6: {  	s22 =	simm.s32 $0x180;
	s23 =	simm.s32 $0x1A00;
	s24 =	simm.s32 $0x1  }
0x7: {  	s28 =	simm.s32 $0x0;
	[smem:$0x7FF] =	sst s3;
	s7 =	sand.u32 $0x1, s4  }
0x8: {  	s8 =	smul.u32 $0x7800, s1;
	s4 =	sadd.s32 $0x5EC00, s6;
	s16 =	sadd.s32 $0x54C00, s6  }
0x9: {  	s5 =	sadd.s32 $0x1C00, s6;
	s11 =	sshll.u32 s1, $0x1;
	s29 =	smul.u32 $0x5000, s1  }
0xa: {  	s26 =	sshll.u32 s1, $0x6;
	_ =	strace $0x8000004D;
	s9 =	smul.u32 $0x78000, s7  }
0xb: {  	s10 =	ssub.s32 $0x2, s7;
	s11 =	sor.u32 s7, s11;
	s14 =	smul.u32 $0x2800, s7  }
0xc: {  	s12 =	sshrl.u32 s10, $0x1;
	s25 =	smul.u32 $0x2800, s11;
	s17 =	sadd.s32 s8, s2  }
0xd: {  	s9 =	sadd.s32 s8, s9;
	s12 =	ssub.s32 s10, s12;
	s14 =	sadd.s32 s14, s29  }
0xe: {  	s17 =	sshrl.u32 s17, $0x3;
	s9 =	sshrl.u32 s9, $0x3;
	s31 =	sor.u32 $0x180, s14  }
0xf: {  	s14 =	sor.u32 $0x100, s14;
	s12 =	smax.u32 s12, $0x1;
	s13 =	sadd.s32 s9, s6  }
0x10: {  	s6 =	sor.u32 $0x1C03, s26;
	s9 =	sshrl.u32 s25, $0x3;
	s18 =	sshrl.u32 s31, $0x3  }
0x11: {  	s19 =	sshrl.u32 s14, $0x3;
	s25 =	simm.s32 $0x4;
	s26 =	simm.s32 $0x2  }
0x12: {  	s7 =	sadd.s32 s16, s9;
	s8 =	sadd.s32 s15, s9;
	s30 =	sor.u32 $0x10, s9  }
0x13: {  	s11 =	sadd.s32 $0x6DC00, s13;
	s13 =	sadd.s32 s18, s15;
	s14 =	sadd.s32 s18, s16  }
0x14: {  	s18 =	simm.s32 $0x3;
	s9 =	sadd.s32 s16, s30;
	s10 =	sadd.s32 s15, s30  }
0x15: {  	s15 =	sadd.s32 s19, s15;
	s16 =	sadd.s32 s19, s16;
	s19 =	simm.s32 $0x100  }
.LBB2_1:
0x16: {  	[spmem:s17], [sflag:s6] =	dma.local [hbm:s5], $0xF00  }
0x17: {  	_ =	swait.ge [sflag:s18], $0xF00  }
0x18: {  	[sflag:s18] =	ssyncset.done $0x0  }
0x19: {  	[sflag:s18] =	ssyncadd.s32 $0xFFFFF100  }
0x1a: {  	[tilespmem:s3], [sflag:$0x3] =	stream.linear.gather [hbm4b:s7+s3], $0x80, $0x38;
	[tilespmem:$0xAA00] =	vst v63  }
0x1b: {  	_ =	swait.ge [sflag:s18], $0x80  }
0x1c: {  	[sflag:s18] =	ssyncset.done $0x0  }
0x1d: {  	[sflag:s18] =	ssyncadd.s32 $0xFFFFFF80  }
0x1e: {  	[tilespmem:s19], [sflag:$0x3] =	stream.linear.gather [hbm4b:s8+s3], $0x80, $0x38;
	[tilespmem:$0xAA00] =	vst v63  }
0x1f: {  	_ =	swait.ge [sflag:s18], $0x80  }
0x20: {  	[sflag:s18] =	ssyncset.done $0x0  }
0x21: {  	[sflag:s18] =	ssyncadd.s32 $0xFFFFFF80  }
0x22: {  	[bflag:$0x0] =	sbarrier.arrive $0xFFFF  }
0x23: {  	[tilespmem:s21], [sflag:$0x1] =	stream.indirect.gather [hbm4b:s4+s20], $0x30, s3, s20, $0xb8;
	[tilespmem:$0xAA00] =	vst v63  }
0x24: {  	_ = 	snop  }
0x25: {  	[tilespmem:s20], [sflag:$0x3] =	stream.linear.gather [hbm4b:s9+s3], $0x80, $0x38;
	[tilespmem:$0xAA00] =	vst v63  }
0x26: {  	_ =	swait.ge [sflag:s18], $0x80  }
0x27: {  	[sflag:s18] =	ssyncset.done $0x0  }
0x28: {  	[sflag:s18] =	ssyncadd.s32 $0xFFFFFF80  }
0x29: {  	[tilespmem:s22], [sflag:$0x3] =	stream.linear.gather [hbm4b:s10+s3], $0x80, $0x38;
	[tilespmem:$0xAA00] =	vst v63  }
0x2a: {  	_ =	swait.ge [sflag:s18], $0x80  }
0x2b: {  	[sflag:s18] =	ssyncset.done $0x0  }
0x2c: {  	[sflag:s18] =	ssyncadd.s32 $0xFFFFFF80  }
0x2d: {  	[tilespmem:s23], [sflag:$0x2] =	stream.indirect.gather [hbm4b:s4+s20], $0x30, s20, s20, $0xb8;
	[tilespmem:$0xAA00] =	vst v63  }
0x2e: {  	_ =	swait.ge [sflag:s24], $0x1800  }
0x2f: {  	[sflag:s24] =	ssyncset.done $0x0  }
0x30: {  	[sflag:s24] =	ssyncadd.s32 $0xFFFFE800  }
0x31: {  	[spmem:s2] =	stream.indirect.scatter.add.f32 [tilespmem:s21], [sflag:$0x4], $0x30, s19, s20, $0xb8;
	[tilespmem:$0xAA00] =	vst v63  }
0x32: {  	_ =	swait.ge [sflag:s25], $0x1800  }
0x33: {  	[sflag:s25] =	ssyncset.done $0x0  }
0x34: {  	s29 =	sadd.s32 $0x0, s16;
	[sflag:s25] =	ssyncadd.s32 $0xFFFFE800  }
0x35: {  	[tilespmem:s3], [sflag:$0x4] =	stream.linear.gather [hbm4b:s29+s3], $0x80, $0x38;
	[tilespmem:$0xAA00] =	vst v63  }
0x36: {  	_ =	swait.ge [sflag:s25], $0x80  }
0x37: {  	[sflag:s25] =	ssyncset.done $0x0  }
0x38: {  	s29 =	sadd.s32 $0x0, s15;
	[sflag:s25] =	ssyncadd.s32 $0xFFFFFF80  }
0x39: {  	[tilespmem:s19], [sflag:$0x4] =	stream.linear.gather [hbm4b:s29+s3], $0x80, $0x38;
	[tilespmem:$0xAA00] =	vst v63  }
0x3a: {  	_ =	swait.ge [sflag:s25], $0x80  }
0x3b: {  	[sflag:s25] =	ssyncset.done $0x0  }
0x3c: {  	[sflag:s25] =	ssyncadd.s32 $0xFFFFFF80  }
0x3d: {  	[tilespmem:s21], [sflag:$0x1] =	stream.indirect.gather [hbm4b:s4+s20], $0x30, s3, s20, $0xb8;
	[tilespmem:$0xAA00] =	vst v63  }
0x3e: {  	_ =	swait.ge [sflag:s26], $0x1800  }
0x3f: {  	[sflag:s26] =	ssyncset.done $0x0  }
0x40: {  	[sflag:s26] =	ssyncadd.s32 $0xFFFFE800  }
0x41: {  	[spmem:s2] =	stream.indirect.scatter.add.f32 [tilespmem:s23], [sflag:$0x4], $0x30, s22, s20, $0xb8;
	[tilespmem:$0xAA00] =	vst v63  }
0x42: {  	_ =	swait.ge [sflag:s25], $0x1800  }
0x43: {  	[sflag:s25] =	ssyncset.done $0x0  }
0x44: {  	s29 =	sadd.s32 $0x0, s14;
	[sflag:s25] =	ssyncadd.s32 $0xFFFFE800  }
0x45: {  	[tilespmem:s20], [sflag:$0x4] =	stream.linear.gather [hbm4b:s29+s3], $0x80, $0x38;
	[tilespmem:$0xAA00] =	vst v63  }
0x46: {  	_ =	swait.ge [sflag:s25], $0x80  }
0x47: {  	[sflag:s25] =	ssyncset.done $0x0  }
0x48: {  	s29 =	sadd.s32 $0x0, s13;
	[sflag:s25] =	ssyncadd.s32 $0xFFFFFF80  }
0x49: {  	[tilespmem:s22], [sflag:$0x3] =	stream.linear.gather [hbm4b:s29+s3], $0x80, $0x38;
	[tilespmem:$0xAA00] =	vst v63  }
0x4a: {  	_ =	swait.ge [sflag:s18], $0x80  }
0x4b: {  	s29 =	simm.s32 $0x20;
	[sflag:s18] =	ssyncset.done $0x0  }
.LBB2_2:
0x4c: {  	p0 =	sne.s32 s29, $0x4C0  }
0x4d: {  	[sflag:s18] =	ssyncadd.s32 $0xFFFFFF80;
	s30 =	smov.u32 s29;
	s29 =	sadd.s32 $0x20, s29  }
0x4e: {  	[tilespmem:s23], [sflag:$0x2] =	stream.indirect.gather [hbm4b:s4+s20], $0x30, s20, s20, $0xb8;
	[tilespmem:$0xAA00] =	vst v63  }
0x4f: {  	_ =	swait.ge [sflag:s24], $0x1800  }
0x50: {  	[sflag:s24] =	ssyncset.done $0x0  }
0x51: {  	[sflag:s24] =	ssyncadd.s32 $0xFFFFE800  }
0x52: {  	[spmem:s2] =	stream.indirect.scatter.add.f32 [tilespmem:s21], [sflag:$0x4], $0x30, s19, s20, $0xb8;
	[tilespmem:$0xAA00] =	vst v63  }
0x53: {  	_ =	swait.ge [sflag:s25], $0x1800  }
0x54: {  	[sflag:s25] =	ssyncset.done $0x0  }
0x55: {  	s31 =	sadd.s32 s30, s16;
	[sflag:s25] =	ssyncadd.s32 $0xFFFFE800  }
0x56: {  	[tilespmem:s3], [sflag:$0x4] =	stream.linear.gather [hbm4b:s31+s3], $0x80, $0x38;
	[tilespmem:$0xAA00] =	vst v63  }
0x57: {  	_ =	swait.ge [sflag:s25], $0x80  }
0x58: {  	[sflag:s25] =	ssyncset.done $0x0  }
0x59: {  	s31 =	sadd.s32 s30, s15;
	[sflag:s25] =	ssyncadd.s32 $0xFFFFFF80  }
0x5a: {  	[tilespmem:s19], [sflag:$0x4] =	stream.linear.gather [hbm4b:s31+s3], $0x80, $0x38;
	[tilespmem:$0xAA00] =	vst v63  }
0x5b: {  	_ =	swait.ge [sflag:s25], $0x80  }
0x5c: {  	[sflag:s25] =	ssyncset.done $0x0  }
0x5d: {  	[sflag:s25] =	ssyncadd.s32 $0xFFFFFF80  }
0x5e: {  	[tilespmem:s21], [sflag:$0x1] =	stream.indirect.gather [hbm4b:s4+s20], $0x30, s3, s20, $0xb8;
	[tilespmem:$0xAA00] =	vst v63  }
0x5f: {  	_ =	swait.ge [sflag:s26], $0x1800  }
0x60: {  	[sflag:s26] =	ssyncset.done $0x0  }
0x61: {  	[sflag:s26] =	ssyncadd.s32 $0xFFFFE800  }
0x62: {  	[spmem:s2] =	stream.indirect.scatter.add.f32 [tilespmem:s23], [sflag:$0x4], $0x30, s22, s20, $0xb8;
	[tilespmem:$0xAA00] =	vst v63  }
0x63: {  	_ =	swait.ge [sflag:s25], $0x1800  }
0x64: {  	[sflag:s25] =	ssyncset.done $0x0  }
0x65: {  	s31 =	sadd.s32 s30, s14;
	[sflag:s25] =	ssyncadd.s32 $0xFFFFE800  }
0x66: {  	[tilespmem:s20], [sflag:$0x4] =	stream.linear.gather [hbm4b:s31+s3], $0x80, $0x38;
	[tilespmem:$0xAA00] =	vst v63  }
0x67: {  	_ =	swait.ge [sflag:s25], $0x80  }
.Ltmp0:
0x68: {  	[sflag:s25] =	ssyncset.done $0x0;
	(pc) =	sbr.rel @p0 .LBB2_2-.Ltmp0, $4  }
0x69: {  	s30 =	sadd.s32 s30, s13;
	[sflag:s25] =	ssyncadd.s32 $0xFFFFFF80  }
0x6a: {  	[tilespmem:s22], [sflag:$0x3] =	stream.linear.gather [hbm4b:s30+s3], $0x80, $0x38;
	[tilespmem:$0xAA00] =	vst v63  }
0x6b: {  	_ =	swait.ge [sflag:s18], $0x80  }
0x6c: {  	[sflag:s18] =	ssyncset.done $0x0  }
0x6d: {  	[sflag:s18] =	ssyncadd.s32 $0xFFFFFF80  }
0x6e: {  	[tilespmem:s23], [sflag:$0x2] =	stream.indirect.gather [hbm4b:s4+s20], $0x30, s20, s20, $0xb8;
	[tilespmem:$0xAA00] =	vst v63  }
0x6f: {  	_ =	swait.ge [sflag:s24], $0x1800  }
0x70: {  	[sflag:s24] =	ssyncset.done $0x0  }
0x71: {  	[sflag:s24] =	ssyncadd.s32 $0xFFFFE800  }
0x72: {  	[spmem:s2] =	stream.indirect.scatter.add.f32 [tilespmem:s21], [sflag:$0x4], $0x30, s19, s20, $0xb8;
	[tilespmem:$0xAA00] =	vst v63  }
0x73: {  	_ =	swait.ge [sflag:s25], $0x1800  }
0x74: {  	[sflag:s25] =	ssyncset.done $0x0  }
0x75: {  	[sflag:s25] =	ssyncadd.s32 $0xFFFFE800  }
0x76: {  	_ =	swait.ge [sflag:s26], $0x1800  }
0x77: {  	[sflag:s26] =	ssyncset.done $0x0  }
0x78: {  	[sflag:s26] =	ssyncadd.s32 $0xFFFFE800  }
0x79: {  	[spmem:s2] =	stream.indirect.scatter.add.f32 [tilespmem:s23], [sflag:$0x4], $0x30, s22, s20, $0xb8;
	[tilespmem:$0xAA00] =	vst v63  }
0x7a: {  	_ =	swait.ge [sflag:s25], $0x1800  }
0x7b: {  	s28 =	sadd.s32 $0x1, s28;
	[sflag:s25] =	ssyncset.done $0x0  }
0x7c: {  	p0 =	sne.s32 s28, s12;
	[sflag:s25] =	ssyncadd.s32 $0xFFFFE800  }
.Ltmp1:
0x7d: {  	[bflag:$0x0] =	sbarrier.arrive $0xFFFF;
	(pc) =	sbr.rel @p0 .LBB2_1-.Ltmp1, $4  }
0x7e: {  	[hbm:s11], [sflag:s6] =	dma.local [spmem:s17], $0xF00  }
0x7f: {  	_ =	swait.ge [sflag:s18], $0xF00  }
0x80: {  	[sflag:s18] =	ssyncset.done $0x0  }
0x81: {  	[sflag:s18] =	ssyncadd.s32 $0xFFFFF100  }
0x82: {  	_ =	sfence.sel $0x180000  }
0x83: {  	[bflag:$0x0] =	sbarrier.arrive $0xFFFF  }
0x84: {  	p0 =	sne.s32 s1, $0x0;
	_ =	strace $0x9000004D  }
0x85: {  	s0 =	sadd.s32 @!p0 $0x100000, s0;
	[bflag:$0x2] =	sbarrier.arrive $0xFFFF  }
0x86: {  	[sflag:s0] =	ssyncadd.tile.s32 @!p0 $0x1;
	_ =	shalt  }
.Lfunc_end2:
_tile_overlayer_lowered:
.L_overlay_start_2:
0x87: {  	(tag) =	ssettag $0x2  }
0x88: {  	s0 =	rddreg [dreg:$0x0];
	s2 =	stileid.u32  }
0x89: {  	s1 =	rddreg [dreg:$0x1];
	p0 =	sne.s32 s2, $0x0  }
0x8a: {  	s3 =	rddreg [dreg:$0x2];
	[bflag:$0x3] =	sbarrier.arrive $0xFFFF;
	s2 =	simm.s32 @!p0 $0x1C03  }
0x8b: {  	[timem:s3], [sflag:s2] =	dma.local @!p0 [hbm:s0], s1  }
0x8c: {  	s0 =	simm.s32 @!p0 $0x3  }
0x8d: {  	_ =	swait.ge @!p0 [sflag:s0], s1  }
0x8e: {  	s1 =	ssub.s32 @!p0 $0x0, s1;
	[sflag:s0] =	ssyncset.done @!p0 $0x0  }
0x8f: {  	[sflag:s0] =	ssyncadd.s32 @!p0 s1  }
0x90: {  	[bflag:$0x3] =	sbarrier.arrive $0xFFFF  }
0x91: {  	_ =	shalt  }

// kernel: kernel.8.cloned.1.call-start
scs
__scs_entry_jumppad:
0x0: {  	(pc) =	sbr.rel $0x88, $3  }
0x1: {  	(tag) =	ssettag $0x0;
	lr =	simm.s32 $0x1  }
0x2: {  	[smem:$0x3F9B] =	sst lr;
	_ =	strace $0xD0000000  }
0x3: {  	_ = 	snop  }
0x4: {  	_ = 	snop  }
0x5: {  	_ = 	snop  }
0x6: {  	_ = 	snop  }
0x7: {  	_ = 	snop  }
__scs_overlays_trampoline_lowered:
0x8: {  	[smem:$0x3FAA] =	sst s0  }
0x9: {  	[smem:$0x3FAB] =	sst s1  }
0xa: {  	[smem:$0x3FAC] =	sst s2  }
0xb: {  	[smem:$0x3FAD] =	sst s3  }
0xc: {  	[smem:$0x3FAE] =	sst s4  }
0xd: {  	[smem:$0x3FAF] =	sst s5  }
0xe: {  	[smem:$0x3FB0] =	sst s6  }
0xf: {  	[smem:$0x3FB1] =	sst s7  }
0x10: {  	[smem:$0x3FB2] =	sst s8  }
0x11: {  	[smem:$0x3FB3] =	sst s9;
	s0 =	simm.s32 @!p0 $0x0  }
0x12: {  	s1 =	sld [smem:$0x3F99];
	s0 =	simm.s32 @p0 $0x1  }
0x13: {  	[smem:$0x3FB4] =	sst s0;
	s0 =	simm.s32 @!p1 $0x0  }
0x14: {  	s2 =	sld [smem:$0x3F98];
	s0 =	simm.s32 @p1 $0x1  }
0x15: {  	[smem:$0x3FB5] =	sst s0;
	s0 =	simm.s32 @!p2 $0x0  }
0x16: {  	s3 =	sld [smem:$0x3FDB];
	s0 =	simm.s32 @p2 $0x1  }
0x17: {  	s4 =	simm.s32 $0x1BF5;
	[smem:$0x3FB7] =	sst s0  }
0x18: {  	s0 =	sld [smem:$0x3F9A];
	_ =	swait.ge [sflag:s4], $0x0  }
0x19: {  	s7 =	sld [smem:$0x3F9B]  }
0x1a: {  	s8 =	sadd.s32 $0xFFFFE003, lr  }
0x1b: {  	s9 =	sadd.s32 $0xFFFFFEF7, lr;
	s5 =	simm.s32 $0xFFFFFFFF;
	p2 =	slt.u32 s8, $0xFFFFF086  }
0x1c: {  	p1 =	slt.u32 s9, $0xF7A;
	s5 =	simm.s32 @!p2 $0x0  }
0x1d: {  	s5 =	simm.s32 @p1 $0x1;
	p0 =	seq.s32 s7, s2  }
0x1e: {  	s7 =	smul.u32 @!p0 $0xF7A, s2;
	p2 =	seq.s32 @!p0 s5, $0x0  }
0x1f: {  	s9 =	smul.u32 $0xF7A, s1;
	s8 =	simm.s32 @!p0 $0x1BF5;
	p2 =	por !p2, p0  }
0x20: {  	[sflag:s8] =	ssyncset.s32 @!p0 $0xFFFFF086;
	s6 =	sadd.s32 @!p0 s3, s7;
	s7 =	simm.s32 @!p0 $0x108  }
0x21: {  	s3 =	sadd.s32 s3, s9;
	s6 =	sadd.s32 @!p0 $0x88, s6;
	s7 =	simm.s32 @p2 $0x1082  }
0x22: {  	[simem:s7], [sflag:s8] =	dma.local @!p0 [hbm:s6], $0xF7A  }
0x23: {  	s9 =	sor.u32 $0xD0000000, s2;
	s6 =	simm.s32 $0x108;
	_ =	swait.ge @!p0 [sflag:s8], $0x0  }
0x24: {  	s3 =	sadd.s32 $0x88, s3;
	s6 =	simm.s32 @!p1 $0x1082;
	[sflag:s4] =	ssyncset.s32 $0xFFFFF086  }
0x25: {  	[simem:s6], [sflag:s4] =	dma.local [hbm:s3], $0xF7A  }
0x26: {  	[smem:$0x3F9B] =	sst s1;
	(tag) =	ssettag s2;
	_ =	strace s9  }
0x27: {  	s1 =	sld [smem:$0x3FAB]  }
0x28: {  	s2 =	sld [smem:$0x3FAC]  }
0x29: {  	s4 =	sld [smem:$0x3FAE]  }
0x2a: {  	p0 =	seq.s32 s5, $0x0;
	s5 =	sld [smem:$0x3FAF]  }
0x2b: {  	s6 =	sld [smem:$0x3FB0]  }
0x2c: {  	s7 =	sld [smem:$0x3FB1]  }
0x2d: {  	s3 =	simm.s32 $0x108;
	s8 =	sld [smem:$0x3FB2]  }
0x2e: {  	s3 =	simm.s32 @!p0 $0x1082;
	s9 =	sld [smem:$0x3FB3]  }
0x2f: {  	lr =	sadd.s32 s0, s3;
	s0 =	sld [smem:$0x3FAA]  }
0x30: {  	s3 =	sld [smem:$0x3FAD]  }
0x31: {  	[smem:$0x3FB6] =	sst s10  }
0x32: {  	s10 =	sld [smem:$0x3FB4];
	_ =	sdelay $0x3  }
0x33: {  	p0 =	seq.s32 s10, $0x1;
	s10 =	sld [smem:$0x3FB6];
	_ =	sdelay $0x3  }
0x34: {  	[smem:$0x3FB6] =	sst s10  }
0x35: {  	s10 =	sld [smem:$0x3FB5];
	_ =	sdelay $0x3  }
0x36: {  	p1 =	seq.s32 s10, $0x1;
	s10 =	sld [smem:$0x3FB6];
	_ =	sdelay $0x3  }
0x37: {  	[smem:$0x3FB6] =	sst s10  }
0x38: {  	s10 =	sld [smem:$0x3FB7]  }
0x39: {  	_ = 	snop;
	(pc) =	sbr.ind lr, $3  }
0x3a: {  	_ = 	snop  }
0x3b: {  	_ = 	snop  }
0x3c: {  	p2 =	seq.s32 s10, $0x1;
	s10 =	sld [smem:$0x3FB6]  }
0x3d: {  	_ =	shalt  }
0x3e: {  	_ =	shalt  }
0x3f: {  	_ =	shalt  }
0x40: {  	_ =	shalt  }
0x41: {  	_ =	shalt  }
0x42: {  	_ =	shalt  }
0x43: {  	_ =	shalt  }
0x44: {  	_ =	shalt  }
0x45: {  	_ =	shalt  }
0x46: {  	_ =	shalt  }
0x47: {  	_ =	shalt  }
0x48: {  	_ =	shalt  }
0x49: {  	_ =	shalt  }
0x4a: {  	_ =	shalt  }
0x4b: {  	_ =	shalt  }
0x4c: {  	_ =	shalt  }
0x4d: {  	_ =	shalt  }
0x4e: {  	_ =	shalt  }
0x4f: {  	_ =	shalt  }
0x50: {  	_ =	shalt  }
0x51: {  	_ =	shalt  }
0x52: {  	_ =	shalt  }
0x53: {  	_ =	shalt  }
0x54: {  	_ =	shalt  }
0x55: {  	_ =	shalt  }
0x56: {  	_ =	shalt  }
0x57: {  	_ =	shalt  }
0x58: {  	_ =	shalt  }
0x59: {  	_ =	shalt  }
0x5a: {  	_ =	shalt  }
0x5b: {  	_ =	shalt  }
0x5c: {  	_ =	shalt  }
0x5d: {  	_ =	shalt  }
0x5e: {  	_ =	shalt  }
0x5f: {  	_ =	shalt  }
0x60: {  	_ =	shalt  }
0x61: {  	_ =	shalt  }
0x62: {  	_ =	shalt  }
0x63: {  	_ =	shalt  }
0x64: {  	_ =	shalt  }
0x65: {  	_ =	shalt  }
0x66: {  	_ =	shalt  }
0x67: {  	_ =	shalt  }
0x68: {  	_ =	shalt  }
0x69: {  	_ =	shalt  }
0x6a: {  	_ =	shalt  }
0x6b: {  	_ =	shalt  }
0x6c: {  	_ =	shalt  }
0x6d: {  	_ =	shalt  }
0x6e: {  	_ =	shalt  }
0x6f: {  	_ =	shalt  }
0x70: {  	_ =	shalt  }
0x71: {  	_ =	shalt  }
0x72: {  	_ =	shalt  }
0x73: {  	_ =	shalt  }
0x74: {  	_ =	shalt  }
0x75: {  	_ =	shalt  }
0x76: {  	_ =	shalt  }
0x77: {  	_ =	shalt  }
0x78: {  	_ =	shalt  }
0x79: {  	_ =	shalt  }
0x7a: {  	_ =	shalt  }
0x7b: {  	_ =	shalt  }
0x7c: {  	_ =	shalt  }
0x7d: {  	_ =	shalt  }
0x7e: {  	_ =	shalt  }
0x7f: {  	_ =	shalt  }
0x80: {  	_ =	shalt  }
0x81: {  	_ =	shalt  }
0x82: {  	_ =	shalt  }
0x83: {  	_ =	shalt  }
0x84: {  	_ =	shalt  }
0x85: {  	_ =	shalt  }
0x86: {  	_ =	shalt  }
0x87: {  	_ =	shalt  }
.Lfunc_end0:
.L_simem_size_0:
called_computation_lowered:
.L_overlay_start_0:
0x88: {  	s2 =	sld [smem:$0x3FD9]  }
0x89: {  	s3 =	sld [smem:$0x3FFE];
	_ =	sdelay $0x1  }
0x8a: {  	s1 =	srdreg.scid  }
0x8b: {  	s0 =	sand.u32 $0x1, s1  }
0x8c: {  	s17 =	sshll.u32 s0, $0xA;
	s2 =	sadd.s32 s3, s2  }
0x8d: {  	s2 =	sadd.s32 s2, s17  }
0x8e: {  	[smem:$0x3FC2] =	sst s2  }
0x8f: {  	_ = 	snop  }
0x90: {  	s2 =	sld [smem:$0x3FD0];
	(tm) =	ssettm $0x1  }
0x91: {  	s18 =	sld [smem:$0x3FFB];
	_ =	sdelay $0x3  }
0x92: {  	_ =	strace s18  }
0x93: {  	s3 =	sld [smem:$0x3FFC];
	_ =	sdelay $0x3  }
0x94: {  	_ =	strace s3  }
0x95: {  	s3 =	sld [smem:$0x3FFD];
	_ =	sdelay $0x3  }
0x96: {  	_ =	strace s3  }
0x97: {  	_ =	strace $0x8FFFFFFF  }
0x98: {  	s19 =	sld [smem:$0x3FDB];
	_ =	sdelay $0x1  }
0x99: {  	s4 =	simm.s32 $_scs_section_size  }
0x9a: {  	s5 =	simm.s32 $_size__tile_overlayer_lowered;
	s6 =	simm.s32 $_tile_overlayer_lowered  }
0x9b: {  	s22 =	simm.s32 $0x1BFF;
	s21 =	sshll.u32 s6, $0x1;
	s3 =	sadd.s32 s4, s19  }
0x9c: {  	s7 =	simm.s32 $0x0;
	s20 =	sshll.u32 s5, $0x1;
	s5 =	sadd.s32 s21, s3  }
0x9d: {  	[timem:s7], [sflag:s22] =	dma.local [hbm:s5], s20  }
0x9e: {  	_ =	swait.ge [sflag:s22], s20  }
0x9f: {  	s4 =	ssub.s32 $0x0, s20;
	[sflag:s22] =	ssyncset.done $0x0  }
0xa0: {  	[sflag:s22] =	ssyncadd.s32 s4;
	_ =	sdelay $0x1  }
0xa1: {  	s23 =	simm.s32 $0x1B8B  }
0xa2: {  	_ =	swait.ge [sflag:s23], $0x1  }
0xa3: {  	[sflag:s23] =	ssyncset.done $0x0  }
0xa4: {  	s25 =	simm.s32 $0x1B8E;
	s24 =	sld [smem:$0x3FFE];
	[sflag:s23] =	ssyncadd.s32 $0xFFFFFFFF  }
0xa5: {  	s26 =	simm.s32 $execute0_lowered;
	[smem:$0x3FD2] =	sst s25  }
0xa6: {  	s5 =	sshll.u32 s26, $0x1;
	_ =	strace $0x80000046;
	[dreg:$0x1] =	wrdreg $0xFFFFFFFF  }
0xa7: {  	s28 =	simm.s32 $_size_execute0_lowered;
	s3 =	sadd.s32 s3, s5;
	[dreg:$0x0] =	wrdreg $0x0  }
0xa8: {  	s5 =	sshll.u32 s28, $0x1;
	[dreg:$0x2] =	wrdreg s3  }
0xa9: {  	[dreg:$0x3] =	wrdreg s5  }
0xaa: {  	[dreg:$0x4] =	wrdreg $0xC0  }
0xab: {  	_ =	task [dreg:s7], $0x5FFFF  }
0xac: {  	[dreg:$0x1] =	wrdreg $0xFFFFFFFF  }
0xad: {  	[dreg:$0x0] =	wrdreg $0x60  }
0xae: {  	[dreg:$0x2] =	wrdreg s2  }
0xaf: {  	[dreg:$0x3] =	wrdreg s24  }
0xb0: {  	[dreg:$0x4] =	wrdreg $0x68000  }
0xb1: {  	[dreg:$0x5] =	wrdreg $0x9  }
0xb2: {  	_ =	task.clear_ibuf [dreg:s7], $0x6FFFF;
	_ =	strace $0x90000046  }
0xb3: {  	s29 =	simm.s32 $0x9;
	_ =	strace $0x80000048  }
0xb4: {  	_ =	swait.ge [sflag:s29], $0x1  }
0xb5: {  	[sflag:s29] =	ssyncadd.s32 $0xFFFFFFFF  }
0xb6: {  	_ =	strace $0x90000048  }
0xb7: {  	_ =	sfence  }
0xb8: {  	s30 =	sld [smem:$0x0];
	_ =	sdelay $0x2  }
0xb9: {  	s31 =	sshll.u32 s1, $0xD;
	s1 =	sshrl.u32 s1, $0x2  }
0xba: {  	s3 =	sand.u32 $0x4000, s31;
	s1 =	sadd.s32 s1, s30  }
0xbb: {  	s0 =	sor.u32 s3, s0;
	s1 =	sshll.u32 s1, $0x11  }
0xbc: {  	s0 =	sor.u32 s1, s0  }
0xbd: {  	s0 =	sadd.s32 $0x8F2B, s0  }
0xbe: {  	[sflag:s0] =	ssyncadd.remote.s32 $0x1  }
0xbf: {  	_ =	sfence.sel $0xFFFF  }
0xc0: {  	[dreg:$0x0] =	wrdreg $0xFFFFFFFF;
	(pc) =	sbr.abs _section_cstart, $3  }
0xc1: {  	[dreg:$0x1] =	wrdreg $0xFFFFFFFF  }
0xc2: {  	_ =	task.clear_ibuf [dreg:s7], $0x2FFFF;
	_ =	strace $0x9FFFFFFF  }
0xc3: {  	(tm) =	ssettm $0x7FFFFFFF  }
tec
execute0_lowered:
.L_overlay_start_1:
0x0: {  	(tag) =	ssettag $0x1  }
0x1: {  	s7 =	rddreg [dreg:$0x0]  }
0x2: {  	s6 =	rddreg [dreg:$0x1]  }
0x3: {  	s2 =	rddreg [dreg:$0x2]  }
0x4: {  	s0 =	rddreg [dreg:$0x3]  }
0x5: {  	s4 =	srdreg.scid;
	s1 =	stileid.u32;
	s3 =	simm.s32 $0x0  }
0x6: {  	s13 =	simm.s32 $0x80;
	s14 =	simm.s32 $0x0;
	s8 =	sand.u32 $0x1, s4  }
0x7: {  	s9 =	smul.u32 $0x14000, s1;
	[smem:$0x7FF] =	sst s3;
	s4 =	sadd.s32 $0x4400, s6  }
0x8: {  	s5 =	sadd.s32 $0x1C00, s6;
	s11 =	sshll.u32 s1, $0x1;
	s31 =	sshll.u32 s1, $0x6  }
0x9: {  	s10 =	smul.u32 $0x140000, s8;
	_ =	strace $0x80000047;
	s12 =	ssub.s32 $0x2, s8  }
0xa: {  	s8 =	sor.u32 s8, s11;
	s11 =	simm.s32 $0x1;
	s28 =	sshrl.u32 s12, $0x1  }
0xb: {  	s8 =	smul.u32 $0x500, s8;
	s30 =	sadd.s32 s9, s2;
	s10 =	sadd.s32 s9, s10  }
0xc: {  	s29 =	ssub.s32 s12, s28;
	s12 =	simm.s32 $0x2800;
	s10 =	sshrl.u32 s10, $0x3  }
0xd: {  	s7 =	sadd.s32 s7, s8;
	s9 =	smax.u32 s29, $0x1;
	s10 =	sadd.s32 s10, s6  }
0xe: {  	s6 =	sor.u32 $0x1C01, s31;
	s8 =	sadd.s32 $0x4C00, s10;
	s10 =	sshrl.u32 s30, $0x3  }
.LBB2_1:
0xf: {  	[spmem:s10], [sflag:s6] =	dma.local [hbm:s5], $0x2800  }
0x10: {  	_ =	swait.ge [sflag:s11], $0x2800  }
0x11: {  	[sflag:s11] =	ssyncset.done $0x0  }
0x12: {  	[sflag:s11] =	ssyncadd.s32 $0xFFFFD800  }
0x13: {  	[tilespmem:s3], [sflag:$0x1] =	stream.linear.gather [hbm4b:s7+s3], $0x2800, $0x38;
	[tilespmem:$0x1A800] =	vst v63  }
0x14: {  	_ =	swait.ge [sflag:s11], $0x2800  }
0x15: {  	[sflag:s11] =	ssyncset.done $0x0  }
0x16: {  	[sflag:s11] =	ssyncadd.s32 $0xFFFFD800  }
0x17: {  	[tilespmem:s12], [sflag:$0x1] =	stream.linear.gather [hbm4b:s4+s3], $0x4000, $0x38;
	[tilespmem:$0x1A800] =	vst v63  }
0x18: {  	_ =	swait.ge [sflag:s11], $0x4000  }
0x19: {  	[sflag:s11] =	ssyncset.done $0x0  }
0x1a: {  	[sflag:s11] =	ssyncadd.s32 $0xFFFFC000  }
0x1b: {  	s15 =	simm.s32 $0x0;
	[bflag:$0x0] =	sbarrier.arrive $0xFFFF  }
0x1c: {  	[spmem:s2] =	stream.indirect.scatter.add.f32 [tilespmem:s12], [sflag:$0x1], $0x80, s15, s13, $0xb8;
	[tilespmem:$0x1A800] =	vst v63  }
0x1d: {  	_ =	swait.ge [sflag:s11], $0x4000  }
0x1e: {  	s15 =	simm.s32 $0x200;
	[sflag:s11] =	ssyncset.done $0x0  }
.LBB2_2:
0x1f: {  	s16 =	sshra.s32 s15, $0x2;
	[sflag:s11] =	ssyncadd.s32 $0xFFFFC000;
	p0 =	sne.s32 s15, $0x9E00  }
0x20: {  	[spmem:s2] =	stream.indirect.scatter.add.f32 [tilespmem:s12], [sflag:$0x1], $0x80, s16, s13, $0xb8;
	[tilespmem:$0x1A800] =	vst v63  }
.Ltmp0:
0x21: {  	_ = 	snop;
	(pc) =	sbr.rel @p0 .LBB2_2-.Ltmp0, $4  }
0x22: {  	_ = 	snop  }
0x23: {  	s15 =	sadd.s32 $0x200, s15  }
0x24: {  	_ =	swait.ge [sflag:s11], $0x4000  }
0x25: {  	[sflag:s11] =	ssyncset.done $0x0  }
0x26: {  	s14 =	sadd.s32 $0x1, s14  }
0x27: {  	[sflag:s11] =	ssyncadd.s32 $0xFFFFC000;
	p0 =	sne.s32 s14, s9  }
.Ltmp1:
0x28: {  	[bflag:$0x0] =	sbarrier.arrive $0xFFFF;
	(pc) =	sbr.rel @p0 .LBB2_1-.Ltmp1, $4  }
0x29: {  	[hbm:s8], [sflag:s6] =	dma.local [spmem:s10], $0x2800  }
0x2a: {  	_ =	swait.ge [sflag:s11], $0x2800  }
0x2b: {  	[sflag:s11] =	ssyncset.done $0x0  }
0x2c: {  	[sflag:s11] =	ssyncadd.s32 $0xFFFFD800  }
0x2d: {  	_ =	sfence.sel $0x180000  }
0x2e: {  	[bflag:$0x0] =	sbarrier.arrive $0xFFFF  }
0x2f: {  	p0 =	sne.s32 s1, $0x0;
	_ =	strace $0x90000047  }
0x30: {  	s0 =	sadd.s32 @!p0 $0x100000, s0;
	[bflag:$0x2] =	sbarrier.arrive $0xFFFF  }
0x31: {  	[sflag:s0] =	ssyncadd.tile.s32 @!p0 $0x1;
	_ =	shalt  }
.Lfunc_end2:
_tile_overlayer_lowered:
.L_overlay_start_2:
0x32: {  	(tag) =	ssettag $0x2  }
0x33: {  	s0 =	rddreg [dreg:$0x0];
	s2 =	stileid.u32  }
0x34: {  	s1 =	rddreg [dreg:$0x1];
	p0 =	sne.s32 s2, $0x0  }
0x35: {  	s3 =	rddreg [dreg:$0x2];
	[bflag:$0x3] =	sbarrier.arrive $0xFFFF;
	s2 =	simm.s32 @!p0 $0x1C01  }
0x36: {  	[timem:s3], [sflag:s2] =	dma.local @!p0 [hbm:s0], s1  }
0x37: {  	s0 =	simm.s32 @!p0 $0x1  }
0x38: {  	_ =	swait.ge @!p0 [sflag:s0], s1  }
0x39: {  	s1 =	ssub.s32 @!p0 $0x0, s1;
	[sflag:s0] =	ssyncset.done @!p0 $0x0  }
0x3a: {  	[sflag:s0] =	ssyncadd.s32 @!p0 s1  }
0x3b: {  	[bflag:$0x3] =	sbarrier.arrive $0xFFFF  }
0x3c: {  	_ =	shalt  }

</sc_bundles>
